<compile_context>
chip_gen: v7x
topology: tpu7x:2x2x1
jax: 0.10.2.dev20260603
libtpu: 0.0.44.dev20260713+nightly
codegen_flags: <defaults>
</compile_context>

<pallas_src>
import functools

import jax
import jax.numpy as jnp
from jax import lax
from jax.experimental import pallas as pl
from jax.experimental.pallas import tpu as pltpu
from jax.experimental.pallas import tpu_sc as plsc

_B = 16384
_NS = 16
_LN = 16
_CH = 128


@functools.lru_cache(maxsize=None)
def _make_kernel(T, V, D, B):
    per_tile = T // _NS
    nch = per_tile // _CH
    rows_out = B // _NS

    mesh = plsc.VectorSubcoreMesh(core_axis_name="c", subcore_axis_name="s")

    @functools.partial(
        pl.kernel,
        out_type=jax.ShapeDtypeStruct((B, 2 * D), jnp.float32),
        mesh=mesh,
        scratch_types=[
            pltpu.VMEM((nch, _CH), jnp.int32),
            pltpu.VMEM((nch, _CH), jnp.int32),
            pltpu.VMEM((_CH, D), jnp.float32),
            pltpu.VMEM((_CH, D), jnp.float32),
            pltpu.VMEM((_CH, D), jnp.float32),
            pltpu.VMEM_SHARED((B, D), jnp.float32),
            pltpu.SemaphoreType.DMA,
            pltpu.SemaphoreType.DMA,
        ],
        compiler_params=pltpu.CompilerParams(use_tc_tiling_on_sc=False),
    )
    def k(pv, ps, uv, us, pt, ut, out, idx_v, seg_v, rows0, rows1, zero_v,
          acc, sem0, sem1):
        c = lax.axis_index("c")
        s = lax.axis_index("s")

        def zfill(i, _):
            zero_v[i // (D // _LN), pl.ds((i % (D // _LN)) * _LN, _LN)] = (
                jnp.zeros((_LN,), jnp.float32))
            return 0
        lax.fori_loop(0, _CH * D // _LN, zfill, 0)

        def zacc(i, _):
            pltpu.sync_copy(zero_v, acc.at[pl.ds(s * rows_out + i * _CH, _CH)])
            return 0
        lax.fori_loop(0, rows_out // _CH, zacc, 0)
        plsc.subcore_barrier()

        def feature(vals, segs, table):
            base = s * nch
            pltpu.sync_copy(vals.at[pl.ds(base, nch)], idx_v)
            pltpu.sync_copy(segs.at[pl.ds(base, nch)], seg_v)
            bufs = ((rows0, sem0), (rows1, sem1))

            pltpu.async_copy(table.at[idx_v.at[0]], rows0, sem0)

            def body(i, _):
                for b in range(2):
                    j = i * 2 + b
                    rows_b, sem_b = bufs[b]
                    rows_n, sem_n = bufs[1 - b]

                    @pl.when(j + 1 < nch)
                    def _():
                        pltpu.async_copy(table.at[idx_v.at[j + 1]], rows_n,
                                         sem_n)
                    pltpu.make_async_copy(table.at[idx_v.at[j]], rows_b,
                                          sem_b).wait()
                    pltpu.sync_copy(rows_b, acc.at[seg_v.at[j]], add=True)
                return 0
            lax.fori_loop(0, nch // 2, body, 0)

        @pl.when(c == 0)
        def _():
            feature(pv, ps, pt)

        @pl.when(c == 1)
        def _():
            feature(uv, us, ut)

        plsc.subcore_barrier()
        pltpu.sync_copy(
            acc.at[pl.ds(s * rows_out, rows_out)],
            out.at[pl.ds(s * rows_out, rows_out), pl.ds(c * D, D)])

    return k


def kernel(product_values, product_segment_ids, user_values, user_segment_ids,
           product_table, user_table):
    (T,) = product_values.shape
    V, D = product_table.shape
    k = _make_kernel(T, V, D, _B)
    n2 = T // _CH
    return k(product_values.reshape(n2, _CH),
             product_segment_ids.reshape(n2, _CH),
             user_values.reshape(n2, _CH),
             user_segment_ids.reshape(n2, _CH),
             product_table, user_table)

# --- scband reference (transcript-rebuilt; emitter-appended) ---
"""Pipeline reference for scband-inference-module-79568564126495 (READ-ONLY COPY).

The authoritative reference and input builder live on the scoring server;
editing this copy changes nothing except your own understanding.
"""

import jax, jax.numpy as jnp
import numpy as np

B = 16384   # batch size
V = 4096    # num_embeddings per table
D = 64      # embedding_dim
L = 20      # avg multi-hot pooling factor
T = B * L   # total jagged values per feature


def setup_inputs(seed: int = 0) -> dict:
    key = jax.random.key(seed)
    k1, k2, k3, k4, k5, k6 = jax.random.split(key, 6)
    product_values = jax.random.randint(k1, (T,), 0, V, dtype=jnp.int32)
    product_segment_ids = jnp.sort(jax.random.randint(k2, (T,), 0, B, dtype=jnp.int32))
    user_values = jax.random.randint(k3, (T,), 0, V, dtype=jnp.int32)
    user_segment_ids = jnp.sort(jax.random.randint(k4, (T,), 0, B, dtype=jnp.int32))
    # learned parameters: one embedding table per EmbeddingBagConfig
    product_table = jax.random.normal(k5, (V, D), dtype=jnp.float32) * 0.02
    user_table = jax.random.normal(k6, (V, D), dtype=jnp.float32) * 0.02
    return {
        "product_values": product_values,
        "product_segment_ids": product_segment_ids,
        "user_values": user_values,
        "user_segment_ids": user_segment_ids,
        "product_table": product_table,
        "user_table": user_table,
    }


def reference(product_values, product_segment_ids, user_values, user_segment_ids,
              product_table, user_table):
    # EmbeddingBagCollection forward over a KeyedJaggedTensor with features
    # ['product', 'user']: per-feature jagged embedding lookup + SUM pooling
    # per bag (batch row), then the KeyedTensor concatenates pooled embeddings
    # feature-wise along the last dim -> [B, 2*D].
    prod_emb = jnp.take(product_table, product_values, axis=0)            # [T, D] gather
    pooled_prod = jax.ops.segment_sum(prod_emb, product_segment_ids,
                                      num_segments=B)                      # [B, D] SUM pooling
    user_emb = jnp.take(user_table, user_values, axis=0)                  # [T, D] gather
    pooled_user = jax.ops.segment_sum(user_emb, user_segment_ids,
                                      num_segments=B)                      # [B, D] SUM pooling
    # KeyedTensor.values(): concat in key order ['product', 'user']
    return jnp.concatenate([pooled_prod, pooled_user], axis=-1)           # [B, 2*D]

if __name__ == "__main__":
    import jax
    _d = setup_inputs()
    print(jax.jit(kernel)(*tuple(_d.values())))

</pallas_src>

<mosaic_0001>
#map = affine_map<(d0, d1) -> (0, 0)>
module attributes {stable_mosaic.version = 14 : i64} {
  func.func @k(%arg0: i32, %arg1: i32, %arg2: memref<2560x128xi32, #tpu.memory_space<hbm>>, %arg3: memref<2560x128xi32, #tpu.memory_space<hbm>>, %arg4: memref<2560x128xi32, #tpu.memory_space<hbm>>, %arg5: memref<2560x128xi32, #tpu.memory_space<hbm>>, %arg6: memref<4096x64xf32, #tpu.memory_space<hbm>>, %arg7: memref<4096x64xf32, #tpu.memory_space<hbm>>, %arg8: memref<16384x128xf32, #tpu.memory_space<hbm>>, %arg9: memref<160x128xi32, #tpu.memory_space<vmem>>, %arg10: memref<160x128xi32, #tpu.memory_space<vmem>>, %arg11: memref<128x64xf32, #tpu.memory_space<vmem>>, %arg12: memref<128x64xf32, #tpu.memory_space<vmem>>, %arg13: memref<128x64xf32, #tpu.memory_space<vmem>>, %arg14: memref<16384x64xf32, #tpu.memory_space<vmem_shared>>, %arg15: memref<!tpu.dma_semaphore, #tpu.memory_space<semaphore_mem>>, %arg16: memref<!tpu.dma_semaphore, #tpu.memory_space<semaphore_mem>>) attributes {dimension_semantics = [#tpu.dimension_semantics<core_parallel>, #tpu.dimension_semantics<subcore_parallel>], iteration_bounds = array<i64: 2, 16>, scalar_prefetch = 0 : i64, scratch_operands = 8 : i64, tpu.core_type = #tpu.core_type<sc_vector_subcore>, window_params = [{transform_indices = #map}, {transform_indices = #map}, {transform_indices = #map}, {transform_indices = #map}, {transform_indices = #map}, {transform_indices = #map}, {transform_indices = #map}]} {
    %scan3A = arith.constant 0 : i32
    %scan3A_0 = arith.constant 0 : i32
    %scan3A_1 = arith.constant 512 : i32
    %scan3A_2 = arith.addi %scan3A_0, %scan3A_1 : i32
    %scan3A_3 = arith.constant 1 : i32
    %scan3A_4 = scf.for %scan3A_26 = %scan3A_0 to %scan3A_2 step %scan3A_3 iter_args(%scan3A_27 = %scan3A) -> (i32)  : i32 {
      %broadcast_in_dim3A = arith.constant 0.000000e+00 : f32
      %broadcast_in_dim3A_28 = vector.broadcast %broadcast_in_dim3A : f32 to vector<16xf32>
      %jit3A = arith.constant 4 : i32
      %div3A = arith.divsi %scan3A_26, %jit3A : i32
      %sign3A = arith.constant 0 : i32
      %sign3A_29 = arith.cmpi sgt, %scan3A_26, %sign3A : i32
      %sign3A_30 = arith.extui %sign3A_29 : i1 to i32
      %sign3A_31 = arith.constant 0 : i32
      %sign3A_32 = arith.cmpi slt, %scan3A_26, %sign3A_31 : i32
      %sign3A_33 = arith.extui %sign3A_32 : i1 to i32
      %sign3A_34 = arith.subi %sign3A_30, %sign3A_33 : i32
      %sign3A_35 = arith.constant 0 : i32
      %sign3A_36 = arith.cmpi sgt, %jit3A, %sign3A_35 : i32
      %sign3A_37 = arith.extui %sign3A_36 : i1 to i32
      %sign3A_38 = arith.constant 0 : i32
      %sign3A_39 = arith.cmpi slt, %jit3A, %sign3A_38 : i32
      %sign3A_40 = arith.extui %sign3A_39 : i1 to i32
      %sign3A_41 = arith.subi %sign3A_37, %sign3A_40 : i32
      %ne3A = arith.cmpi ne, %sign3A_34, %sign3A_41 : i32
      %rem3A = arith.remsi %scan3A_26, %jit3A : i32
      %ne3A_42 = arith.constant 0 : i32
      %ne3A_43 = arith.cmpi ne, %rem3A, %ne3A_42 : i32
      %and3A = arith.andi %ne3A, %ne3A_43 : i1
      %sub3A = arith.constant 1 : i32
      %sub3A_44 = arith.subi %div3A, %sub3A : i32
      %select_n3A = arith.select %and3A, %sub3A_44, %div3A : i32
      %jit3A_45 = arith.constant 4 : i32
      %eq3A_46 = arith.constant 0 : i32
      %eq3A_47 = arith.cmpi eq, %jit3A_45, %eq3A_46 : i32
      %jit3A_48 = arith.constant 1 : i32
      %select_n3A_49 = arith.select %eq3A_47, %jit3A_48, %jit3A_45 : i32
      %rem3A_50 = arith.remsi %scan3A_26, %select_n3A_49 : i32
      %ne3A_51 = arith.constant 0 : i32
      %ne3A_52 = arith.cmpi ne, %rem3A_50, %ne3A_51 : i32
      %lt3A = arith.constant 0 : i32
      %lt3A_53 = arith.cmpi slt, %rem3A_50, %lt3A : i32
      %lt3A_54 = arith.constant 0 : i32
      %lt3A_55 = arith.cmpi slt, %select_n3A_49, %lt3A_54 : i32
      %ne3A_56 = arith.xori %lt3A_53, %lt3A_55 : i1
      %and3A_57 = arith.andi %ne3A_56, %ne3A_52 : i1
      %add3A = arith.addi %rem3A_50, %select_n3A_49 : i32
      %select_n3A_58 = arith.select %and3A_57, %add3A, %rem3A_50 : i32
      %mul3A_59 = arith.constant 16 : i32
      %mul3A_60 = arith.muli %select_n3A_58, %mul3A_59 : i32
      %swap3A = arith.index_cast %select_n3A : i32 to index
      %swap3A_61 = arith.index_cast %mul3A_60 : i32 to index
      %swap3A_62 = tpu.vector_load %arg13[%swap3A, %swap3A_61] {strides = array<i32>} : memref<128x64xf32, #tpu.memory_space<vmem>>, vector<1x16xf32>,
      %swap3A_63 = vector.shape_cast %swap3A_62 : vector<1x16xf32> to vector<16xf32>
      %swap3A_64 = vector.shape_cast %broadcast_in_dim3A_28 : vector<16xf32> to vector<1x16xf32>
      tpu.vector_store %arg13[%swap3A, %swap3A_61], %swap3A_64 {strides = array<i32>} : memref<128x64xf32, #tpu.memory_space<vmem>>, vector<1x16xf32>,
      %scan3A_65 = arith.constant 0 : i32
      scf.yield %scan3A_65 : i32
    }
    %scan3A_5 = arith.constant 512 : i32
    %scan3A_6 = arith.constant 0 : i32
    %scan3A_7 = arith.constant 0 : i32
    %scan3A_8 = arith.constant 8 : i32
    %scan3A_9 = arith.addi %scan3A_7, %scan3A_8 : i32
    %scan3A_10 = arith.constant 1 : i32
    %scan3A_11 = scf.for %scan3A_26 = %scan3A_7 to %scan3A_9 step %scan3A_10 iter_args(%scan3A_27 = %scan3A_6) -> (i32)  : i32 {
      %mul3A_28 = arith.constant 1024 : i32
      %mul3A_29 = arith.muli %arg1, %mul3A_28 : i32
      %mul3A_30 = arith.constant 128 : i32
      %mul3A_31 = arith.muli %scan3A_26, %mul3A_30 : i32
      %add3A = arith.addi %mul3A_29, %mul3A_31 : i32
      "tpu.region"() ({
        %run_scoped3A = tpu.sem_alloc : memref<!tpu.dma_semaphore, #tpu.memory_space<semaphore_mem>>
        %dma_start3A = arith.constant 0 : i32
        %dma_start3A_33 = tpu.memref_slice %arg14[%add3A, %dma_start3A] : memref<16384x64xf32, #tpu.memory_space<vmem_shared>> -> memref<128x64xf32, #tpu.memory_space<vmem_shared>>
        %dma_start3A_34 = arith.constant 0 : i32
        %dma_start3A_35 = tpu.memref_slice %arg14[%add3A, %dma_start3A_34] : memref<16384x64xf32, #tpu.memory_space<vmem_shared>> -> memref<128x64xf32, #tpu.memory_space<vmem_shared>>
        tpu.enqueue_dma source(%arg13 : memref<128x64xf32, #tpu.memory_space<vmem>>) target(%dma_start3A_35 : memref<128x64xf32, #tpu.memory_space<vmem_shared>>) target_semaphore(%run_scoped3A : memref<!tpu.dma_semaphore, #tpu.memory_space<semaphore_mem>>)
        %dma_wait3A = arith.constant 0 : i32
        %dma_wait3A_36 = tpu.memref_slice %arg14[%add3A, %dma_wait3A] : memref<16384x64xf32, #tpu.memory_space<vmem_shared>> -> memref<128x64xf32, #tpu.memory_space<vmem_shared>>
        %dma_wait3A_37 = arith.constant 0 : i32
        %dma_wait3A_38 = tpu.memref_slice %arg14[%add3A, %dma_wait3A_37] : memref<16384x64xf32, #tpu.memory_space<vmem_shared>> -> memref<128x64xf32, #tpu.memory_space<vmem_shared>>
        tpu.wait_dma2 semaphore(%run_scoped3A : memref<!tpu.dma_semaphore, #tpu.memory_space<semaphore_mem>>) src(%arg13 : memref<128x64xf32, #tpu.memory_space<vmem>>) dst(%dma_wait3A_38 : memref<128x64xf32, #tpu.memory_space<vmem_shared>>)
        tpu.yield
      }) : () -> ()
      %scan3A_32 = arith.constant 0 : i32
      scf.yield %scan3A_32 : i32
    }
    %scan3A_12 = arith.constant 8 : i32
    %barrier3A = arith.constant 0 : index
    tpu.barrier barrier_id(%barrier3A)
    %eq3A = arith.constant 0 : i32
    %eq3A_13 = arith.cmpi eq, %arg0, %eq3A : i32
    %convert_element_type3A = arith.extui %eq3A_13 : i1 to i32
    %cond3A = arith.constant 0 : i32
    %cond3A_14 = arith.cmpi ne, %convert_element_type3A, %cond3A : i32
    scf.if %cond3A_14 {
      %mul3A_26 = arith.constant 160 : i32
      %mul3A_27 = arith.muli %arg1, %mul3A_26 : i32
      "tpu.region"() ({
        %run_scoped3A = tpu.sem_alloc : memref<!tpu.dma_semaphore, #tpu.memory_space<semaphore_mem>>
        %dma_start3A_41 = arith.constant 0 : i32
        %dma_start3A_42 = tpu.memref_slice %arg2[%mul3A_27, %dma_start3A_41] : memref<2560x128xi32, #tpu.memory_space<hbm>> -> memref<160x128xi32, #tpu.memory_space<hbm>>
        %dma_start3A_43 = arith.constant 0 : i32
        %dma_start3A_44 = tpu.memref_slice %arg2[%mul3A_27, %dma_start3A_43] : memref<2560x128xi32, #tpu.memory_space<hbm>> -> memref<160x128xi32, #tpu.memory_space<hbm>>
        tpu.enqueue_dma source(%dma_start3A_44 : memref<160x128xi32, #tpu.memory_space<hbm>>) target(%arg9 : memref<160x128xi32, #tpu.memory_space<vmem>>) target_semaphore(%run_scoped3A : memref<!tpu.dma_semaphore, #tpu.memory_space<semaphore_mem>>)
        %dma_wait3A = arith.constant 0 : i32
        %dma_wait3A_45 = tpu.memref_slice %arg2[%mul3A_27, %dma_wait3A] : memref<2560x128xi32, #tpu.memory_space<hbm>> -> memref<160x128xi32, #tpu.memory_space<hbm>>
        %dma_wait3A_46 = arith.constant 0 : i32
        %dma_wait3A_47 = tpu.memref_slice %arg2[%mul3A_27, %dma_wait3A_46] : memref<2560x128xi32, #tpu.memory_space<hbm>> -> memref<160x128xi32, #tpu.memory_space<hbm>>
        tpu.wait_dma2 semaphore(%run_scoped3A : memref<!tpu.dma_semaphore, #tpu.memory_space<semaphore_mem>>) src(%dma_wait3A_47 : memref<160x128xi32, #tpu.memory_space<hbm>>) dst(%arg9 : memref<160x128xi32, #tpu.memory_space<vmem>>)
        tpu.yield
      }) : () -> ()
      "tpu.region"() ({
        %run_scoped3A = tpu.sem_alloc : memref<!tpu.dma_semaphore, #tpu.memory_space<semaphore_mem>>
        %dma_start3A_41 = arith.constant 0 : i32
        %dma_start3A_42 = tpu.memref_slice %arg3[%mul3A_27, %dma_start3A_41] : memref<2560x128xi32, #tpu.memory_space<hbm>> -> memref<160x128xi32, #tpu.memory_space<hbm>>
        %dma_start3A_43 = arith.constant 0 : i32
        %dma_start3A_44 = tpu.memref_slice %arg3[%mul3A_27, %dma_start3A_43] : memref<2560x128xi32, #tpu.memory_space<hbm>> -> memref<160x128xi32, #tpu.memory_space<hbm>>
        tpu.enqueue_dma source(%dma_start3A_44 : memref<160x128xi32, #tpu.memory_space<hbm>>) target(%arg10 : memref<160x128xi32, #tpu.memory_space<vmem>>) target_semaphore(%run_scoped3A : memref<!tpu.dma_semaphore, #tpu.memory_space<semaphore_mem>>)
        %dma_wait3A = arith.constant 0 : i32
        %dma_wait3A_45 = tpu.memref_slice %arg3[%mul3A_27, %dma_wait3A] : memref<2560x128xi32, #tpu.memory_space<hbm>> -> memref<160x128xi32, #tpu.memory_space<hbm>>
        %dma_wait3A_46 = arith.constant 0 : i32
        %dma_wait3A_47 = tpu.memref_slice %arg3[%mul3A_27, %dma_wait3A_46] : memref<2560x128xi32, #tpu.memory_space<hbm>> -> memref<160x128xi32, #tpu.memory_space<hbm>>
        tpu.wait_dma2 semaphore(%run_scoped3A : memref<!tpu.dma_semaphore, #tpu.memory_space<semaphore_mem>>) src(%dma_wait3A_47 : memref<160x128xi32, #tpu.memory_space<hbm>>) dst(%arg10 : memref<160x128xi32, #tpu.memory_space<vmem>>)
        tpu.yield
      }) : () -> ()
      %dma_start3A = arith.constant 0 : i32
      %dma_start3A_28 = arith.constant 0 : i32
      %dma_start3A_29 = tpu.memref_slice %arg9[%dma_start3A, %dma_start3A_28] : memref<160x128xi32, #tpu.memory_space<vmem>> -> memref<1x128xi32, #tpu.memory_space<vmem>>
      %dma_start3A_30 = tpu.memref_squeeze %dma_start3A_29 : memref<1x128xi32, #tpu.memory_space<vmem>> -> memref<128xi32, #tpu.memory_space<vmem>>
      %dma_start3A_31 = arith.constant 0 : i32
      %dma_start3A_32 = arith.constant 0 : i32
      %dma_start3A_33 = tpu.memref_slice %arg6[%dma_start3A_31, %dma_start3A_32] : memref<4096x64xf32, #tpu.memory_space<hbm>> -> memref<4096x64xf32, #tpu.memory_space<hbm>>
      tpu.enqueue_indirect_dma source(%dma_start3A_33 : memref<4096x64xf32, #tpu.memory_space<hbm>>) target(%arg11 : memref<128x64xf32, #tpu.memory_space<vmem>>) offsets(%dma_start3A_30 : memref<128xi32, #tpu.memory_space<vmem>>) semaphore(%arg15 : memref<!tpu.dma_semaphore, #tpu.memory_space<semaphore_mem>>)
      %scan3A_34 = arith.constant 0 : i32
      %scan3A_35 = arith.constant 0 : i32
      %scan3A_36 = arith.constant 80 : i32
      %scan3A_37 = arith.addi %scan3A_35, %scan3A_36 : i32
      %scan3A_38 = arith.constant 1 : i32
      %scan3A_39 = scf.for %scan3A_41 = %scan3A_35 to %scan3A_37 step %scan3A_38 iter_args(%scan3A_42 = %scan3A_34) -> (i32)  : i32 {
        %mul3A_43 = arith.constant 2 : i32
        %mul3A_44 = arith.muli %scan3A_41, %mul3A_43 : i32
        %add3A = arith.constant 0 : i32
        %add3A_45 = arith.addi %mul3A_44, %add3A : i32
        %add3A_46 = arith.constant 1 : i32
        %add3A_47 = arith.addi %add3A_45, %add3A_46 : i32
        %lt3A = arith.constant 160 : i32
        %lt3A_48 = arith.cmpi slt, %add3A_47, %lt3A : i32
        %convert_element_type3A_49 = arith.extui %lt3A_48 : i1 to i32
        %cond3A_50 = arith.constant 0 : i32
        %cond3A_51 = arith.cmpi ne, %convert_element_type3A_49, %cond3A_50 : i32
        scf.if %cond3A_51 {
          %add3A_75 = arith.constant 1 : i32
          %add3A_76 = arith.addi %add3A_45, %add3A_75 : i32
          %dma_start3A_77 = arith.constant 0 : i32
          %dma_start3A_78 = tpu.memref_slice %arg9[%add3A_76, %dma_start3A_77] : memref<160x128xi32, #tpu.memory_space<vmem>> -> memref<1x128xi32, #tpu.memory_space<vmem>>
          %dma_start3A_79 = tpu.memref_squeeze %dma_start3A_78 : memref<1x128xi32, #tpu.memory_space<vmem>> -> memref<128xi32, #tpu.memory_space<vmem>>
          %dma_start3A_80 = arith.constant 0 : i32
          %dma_start3A_81 = arith.constant 0 : i32
          %dma_start3A_82 = tpu.memref_slice %arg6[%dma_start3A_80, %dma_start3A_81] : memref<4096x64xf32, #tpu.memory_space<hbm>> -> memref<4096x64xf32, #tpu.memory_space<hbm>>
          tpu.enqueue_indirect_dma source(%dma_start3A_82 : memref<4096x64xf32, #tpu.memory_space<hbm>>) target(%arg12 : memref<128x64xf32, #tpu.memory_space<vmem>>) offsets(%dma_start3A_79 : memref<128xi32, #tpu.memory_space<vmem>>) semaphore(%arg16 : memref<!tpu.dma_semaphore, #tpu.memory_space<semaphore_mem>>)
        } else {
        }
        %dma_wait3A = arith.constant 0 : i32
        %dma_wait3A_52 = tpu.memref_slice %arg9[%add3A_45, %dma_wait3A] : memref<160x128xi32, #tpu.memory_space<vmem>> -> memref<1x128xi32, #tpu.memory_space<vmem>>
        %dma_wait3A_53 = tpu.memref_squeeze %dma_wait3A_52 : memref<1x128xi32, #tpu.memory_space<vmem>> -> memref<128xi32, #tpu.memory_space<vmem>>
        %dma_wait3A_54 = arith.constant 0 : i32
        %dma_wait3A_55 = arith.constant 0 : i32
        %dma_wait3A_56 = tpu.memref_slice %arg6[%dma_wait3A_54, %dma_wait3A_55] : memref<4096x64xf32, #tpu.memory_space<hbm>> -> memref<4096x64xf32, #tpu.memory_space<hbm>>
        tpu.wait_indirect_dma semaphore(%arg15 : memref<!tpu.dma_semaphore, #tpu.memory_space<semaphore_mem>>) src(%dma_wait3A_56 : memref<4096x64xf32, #tpu.memory_space<hbm>>) dst(%arg11 : memref<128x64xf32, #tpu.memory_space<vmem>>)
        "tpu.region"() ({
          %run_scoped3A = tpu.sem_alloc : memref<!tpu.dma_semaphore, #tpu.memory_space<semaphore_mem>>
          %dma_start3A_75 = arith.constant 0 : i32
          %dma_start3A_76 = tpu.memref_slice %arg10[%add3A_45, %dma_start3A_75] : memref<160x128xi32, #tpu.memory_space<vmem>> -> memref<1x128xi32, #tpu.memory_space<vmem>>
          %dma_start3A_77 = tpu.memref_squeeze %dma_start3A_76 : memref<1x128xi32, #tpu.memory_space<vmem>> -> memref<128xi32, #tpu.memory_space<vmem>>
          %dma_start3A_78 = arith.constant 0 : i32
          %dma_start3A_79 = arith.constant 0 : i32
          %dma_start3A_80 = tpu.memref_slice %arg14[%dma_start3A_78, %dma_start3A_79] : memref<16384x64xf32, #tpu.memory_space<vmem_shared>> -> memref<16384x64xf32, #tpu.memory_space<vmem_shared>>
          tpu.enqueue_indirect_dma source(%arg11 : memref<128x64xf32, #tpu.memory_space<vmem>>) target(%dma_start3A_80 : memref<16384x64xf32, #tpu.memory_space<vmem_shared>>) offsets(%dma_start3A_77 : memref<128xi32, #tpu.memory_space<vmem>>) semaphore(%run_scoped3A : memref<!tpu.dma_semaphore, #tpu.memory_space<semaphore_mem>>) {add = true}
          %dma_wait3A_81 = arith.constant 0 : i32
          %dma_wait3A_82 = tpu.memref_slice %arg10[%add3A_45, %dma_wait3A_81] : memref<160x128xi32, #tpu.memory_space<vmem>> -> memref<1x128xi32, #tpu.memory_space<vmem>>
          %dma_wait3A_83 = tpu.memref_squeeze %dma_wait3A_82 : memref<1x128xi32, #tpu.memory_space<vmem>> -> memref<128xi32, #tpu.memory_space<vmem>>
          %dma_wait3A_84 = arith.constant 0 : i32
          %dma_wait3A_85 = arith.constant 0 : i32
          %dma_wait3A_86 = tpu.memref_slice %arg14[%dma_wait3A_84, %dma_wait3A_85] : memref<16384x64xf32, #tpu.memory_space<vmem_shared>> -> memref<16384x64xf32, #tpu.memory_space<vmem_shared>>
          tpu.wait_indirect_dma semaphore(%run_scoped3A : memref<!tpu.dma_semaphore, #tpu.memory_space<semaphore_mem>>) src(%arg11 : memref<128x64xf32, #tpu.memory_space<vmem>>) dst(%dma_wait3A_86 : memref<16384x64xf32, #tpu.memory_space<vmem_shared>>)
          tpu.yield
        }) : () -> ()
        %mul3A_57 = arith.constant 2 : i32
        %mul3A_58 = arith.muli %scan3A_41, %mul3A_57 : i32
        %add3A_59 = arith.constant 1 : i32
        %add3A_60 = arith.addi %mul3A_58, %add3A_59 : i32
        %add3A_61 = arith.constant 1 : i32
        %add3A_62 = arith.addi %add3A_60, %add3A_61 : i32
        %lt3A_63 = arith.constant 160 : i32
        %lt3A_64 = arith.cmpi slt, %add3A_62, %lt3A_63 : i32
        %convert_element_type3A_65 = arith.extui %lt3A_64 : i1 to i32
        %cond3A_66 = arith.constant 0 : i32
        %cond3A_67 = arith.cmpi ne, %convert_element_type3A_65, %cond3A_66 : i32
        scf.if %cond3A_67 {
          %add3A_75 = arith.constant 1 : i32
          %add3A_76 = arith.addi %add3A_60, %add3A_75 : i32
          %dma_start3A_77 = arith.constant 0 : i32
          %dma_start3A_78 = tpu.memref_slice %arg9[%add3A_76, %dma_start3A_77] : memref<160x128xi32, #tpu.memory_space<vmem>> -> memref<1x128xi32, #tpu.memory_space<vmem>>
          %dma_start3A_79 = tpu.memref_squeeze %dma_start3A_78 : memref<1x128xi32, #tpu.memory_space<vmem>> -> memref<128xi32, #tpu.memory_space<vmem>>
          %dma_start3A_80 = arith.constant 0 : i32
          %dma_start3A_81 = arith.constant 0 : i32
          %dma_start3A_82 = tpu.memref_slice %arg6[%dma_start3A_80, %dma_start3A_81] : memref<4096x64xf32, #tpu.memory_space<hbm>> -> memref<4096x64xf32, #tpu.memory_space<hbm>>
          tpu.enqueue_indirect_dma source(%dma_start3A_82 : memref<4096x64xf32, #tpu.memory_space<hbm>>) target(%arg11 : memref<128x64xf32, #tpu.memory_space<vmem>>) offsets(%dma_start3A_79 : memref<128xi32, #tpu.memory_space<vmem>>) semaphore(%arg15 : memref<!tpu.dma_semaphore, #tpu.memory_space<semaphore_mem>>)
        } else {
        }
        %dma_wait3A_68 = arith.constant 0 : i32
        %dma_wait3A_69 = tpu.memref_slice %arg9[%add3A_60, %dma_wait3A_68] : memref<160x128xi32, #tpu.memory_space<vmem>> -> memref<1x128xi32, #tpu.memory_space<vmem>>
        %dma_wait3A_70 = tpu.memref_squeeze %dma_wait3A_69 : memref<1x128xi32, #tpu.memory_space<vmem>> -> memref<128xi32, #tpu.memory_space<vmem>>
        %dma_wait3A_71 = arith.constant 0 : i32
        %dma_wait3A_72 = arith.constant 0 : i32
        %dma_wait3A_73 = tpu.memref_slice %arg6[%dma_wait3A_71, %dma_wait3A_72] : memref<4096x64xf32, #tpu.memory_space<hbm>> -> memref<4096x64xf32, #tpu.memory_space<hbm>>
        tpu.wait_indirect_dma semaphore(%arg16 : memref<!tpu.dma_semaphore, #tpu.memory_space<semaphore_mem>>) src(%dma_wait3A_73 : memref<4096x64xf32, #tpu.memory_space<hbm>>) dst(%arg12 : memref<128x64xf32, #tpu.memory_space<vmem>>)
        "tpu.region"() ({
          %run_scoped3A = tpu.sem_alloc : memref<!tpu.dma_semaphore, #tpu.memory_space<semaphore_mem>>
          %dma_start3A_75 = arith.constant 0 : i32
          %dma_start3A_76 = tpu.memref_slice %arg10[%add3A_60, %dma_start3A_75] : memref<160x128xi32, #tpu.memory_space<vmem>> -> memref<1x128xi32, #tpu.memory_space<vmem>>
          %dma_start3A_77 = tpu.memref_squeeze %dma_start3A_76 : memref<1x128xi32, #tpu.memory_space<vmem>> -> memref<128xi32, #tpu.memory_space<vmem>>
          %dma_start3A_78 = arith.constant 0 : i32
          %dma_start3A_79 = arith.constant 0 : i32
          %dma_start3A_80 = tpu.memref_slice %arg14[%dma_start3A_78, %dma_start3A_79] : memref<16384x64xf32, #tpu.memory_space<vmem_shared>> -> memref<16384x64xf32, #tpu.memory_space<vmem_shared>>
          tpu.enqueue_indirect_dma source(%arg12 : memref<128x64xf32, #tpu.memory_space<vmem>>) target(%dma_start3A_80 : memref<16384x64xf32, #tpu.memory_space<vmem_shared>>) offsets(%dma_start3A_77 : memref<128xi32, #tpu.memory_space<vmem>>) semaphore(%run_scoped3A : memref<!tpu.dma_semaphore, #tpu.memory_space<semaphore_mem>>) {add = true}
          %dma_wait3A_81 = arith.constant 0 : i32
          %dma_wait3A_82 = tpu.memref_slice %arg10[%add3A_60, %dma_wait3A_81] : memref<160x128xi32, #tpu.memory_space<vmem>> -> memref<1x128xi32, #tpu.memory_space<vmem>>
          %dma_wait3A_83 = tpu.memref_squeeze %dma_wait3A_82 : memref<1x128xi32, #tpu.memory_space<vmem>> -> memref<128xi32, #tpu.memory_space<vmem>>
          %dma_wait3A_84 = arith.constant 0 : i32
          %dma_wait3A_85 = arith.constant 0 : i32
          %dma_wait3A_86 = tpu.memref_slice %arg14[%dma_wait3A_84, %dma_wait3A_85] : memref<16384x64xf32, #tpu.memory_space<vmem_shared>> -> memref<16384x64xf32, #tpu.memory_space<vmem_shared>>
          tpu.wait_indirect_dma semaphore(%run_scoped3A : memref<!tpu.dma_semaphore, #tpu.memory_space<semaphore_mem>>) src(%arg12 : memref<128x64xf32, #tpu.memory_space<vmem>>) dst(%dma_wait3A_86 : memref<16384x64xf32, #tpu.memory_space<vmem_shared>>)
          tpu.yield
        }) : () -> ()
        %scan3A_74 = arith.constant 0 : i32
        scf.yield %scan3A_74 : i32
      }
      %scan3A_40 = arith.constant 80 : i32
    } else {
    }
    %eq3A_15 = arith.constant 1 : i32
    %eq3A_16 = arith.cmpi eq, %arg0, %eq3A_15 : i32
    %convert_element_type3A_17 = arith.extui %eq3A_16 : i1 to i32
    %cond3A_18 = arith.constant 0 : i32
    %cond3A_19 = arith.cmpi ne, %convert_element_type3A_17, %cond3A_18 : i32
    scf.if %cond3A_19 {
      %mul3A_26 = arith.constant 160 : i32
      %mul3A_27 = arith.muli %arg1, %mul3A_26 : i32
      "tpu.region"() ({
        %run_scoped3A = tpu.sem_alloc : memref<!tpu.dma_semaphore, #tpu.memory_space<semaphore_mem>>
        %dma_start3A_41 = arith.constant 0 : i32
        %dma_start3A_42 = tpu.memref_slice %arg4[%mul3A_27, %dma_start3A_41] : memref<2560x128xi32, #tpu.memory_space<hbm>> -> memref<160x128xi32, #tpu.memory_space<hbm>>
        %dma_start3A_43 = arith.constant 0 : i32
        %dma_start3A_44 = tpu.memref_slice %arg4[%mul3A_27, %dma_start3A_43] : memref<2560x128xi32, #tpu.memory_space<hbm>> -> memref<160x128xi32, #tpu.memory_space<hbm>>
        tpu.enqueue_dma source(%dma_start3A_44 : memref<160x128xi32, #tpu.memory_space<hbm>>) target(%arg9 : memref<160x128xi32, #tpu.memory_space<vmem>>) target_semaphore(%run_scoped3A : memref<!tpu.dma_semaphore, #tpu.memory_space<semaphore_mem>>)
        %dma_wait3A = arith.constant 0 : i32
        %dma_wait3A_45 = tpu.memref_slice %arg4[%mul3A_27, %dma_wait3A] : memref<2560x128xi32, #tpu.memory_space<hbm>> -> memref<160x128xi32, #tpu.memory_space<hbm>>
        %dma_wait3A_46 = arith.constant 0 : i32
        %dma_wait3A_47 = tpu.memref_slice %arg4[%mul3A_27, %dma_wait3A_46] : memref<2560x128xi32, #tpu.memory_space<hbm>> -> memref<160x128xi32, #tpu.memory_space<hbm>>
        tpu.wait_dma2 semaphore(%run_scoped3A : memref<!tpu.dma_semaphore, #tpu.memory_space<semaphore_mem>>) src(%dma_wait3A_47 : memref<160x128xi32, #tpu.memory_space<hbm>>) dst(%arg9 : memref<160x128xi32, #tpu.memory_space<vmem>>)
        tpu.yield
      }) : () -> ()
      "tpu.region"() ({
        %run_scoped3A = tpu.sem_alloc : memref<!tpu.dma_semaphore, #tpu.memory_space<semaphore_mem>>
        %dma_start3A_41 = arith.constant 0 : i32
        %dma_start3A_42 = tpu.memref_slice %arg5[%mul3A_27, %dma_start3A_41] : memref<2560x128xi32, #tpu.memory_space<hbm>> -> memref<160x128xi32, #tpu.memory_space<hbm>>
        %dma_start3A_43 = arith.constant 0 : i32
        %dma_start3A_44 = tpu.memref_slice %arg5[%mul3A_27, %dma_start3A_43] : memref<2560x128xi32, #tpu.memory_space<hbm>> -> memref<160x128xi32, #tpu.memory_space<hbm>>
        tpu.enqueue_dma source(%dma_start3A_44 : memref<160x128xi32, #tpu.memory_space<hbm>>) target(%arg10 : memref<160x128xi32, #tpu.memory_space<vmem>>) target_semaphore(%run_scoped3A : memref<!tpu.dma_semaphore, #tpu.memory_space<semaphore_mem>>)
        %dma_wait3A = arith.constant 0 : i32
        %dma_wait3A_45 = tpu.memref_slice %arg5[%mul3A_27, %dma_wait3A] : memref<2560x128xi32, #tpu.memory_space<hbm>> -> memref<160x128xi32, #tpu.memory_space<hbm>>
        %dma_wait3A_46 = arith.constant 0 : i32
        %dma_wait3A_47 = tpu.memref_slice %arg5[%mul3A_27, %dma_wait3A_46] : memref<2560x128xi32, #tpu.memory_space<hbm>> -> memref<160x128xi32, #tpu.memory_space<hbm>>
        tpu.wait_dma2 semaphore(%run_scoped3A : memref<!tpu.dma_semaphore, #tpu.memory_space<semaphore_mem>>) src(%dma_wait3A_47 : memref<160x128xi32, #tpu.memory_space<hbm>>) dst(%arg10 : memref<160x128xi32, #tpu.memory_space<vmem>>)
        tpu.yield
      }) : () -> ()
      %dma_start3A = arith.constant 0 : i32
      %dma_start3A_28 = arith.constant 0 : i32
      %dma_start3A_29 = tpu.memref_slice %arg9[%dma_start3A, %dma_start3A_28] : memref<160x128xi32, #tpu.memory_space<vmem>> -> memref<1x128xi32, #tpu.memory_space<vmem>>
      %dma_start3A_30 = tpu.memref_squeeze %dma_start3A_29 : memref<1x128xi32, #tpu.memory_space<vmem>> -> memref<128xi32, #tpu.memory_space<vmem>>
      %dma_start3A_31 = arith.constant 0 : i32
      %dma_start3A_32 = arith.constant 0 : i32
      %dma_start3A_33 = tpu.memref_slice %arg7[%dma_start3A_31, %dma_start3A_32] : memref<4096x64xf32, #tpu.memory_space<hbm>> -> memref<4096x64xf32, #tpu.memory_space<hbm>>
      tpu.enqueue_indirect_dma source(%dma_start3A_33 : memref<4096x64xf32, #tpu.memory_space<hbm>>) target(%arg11 : memref<128x64xf32, #tpu.memory_space<vmem>>) offsets(%dma_start3A_30 : memref<128xi32, #tpu.memory_space<vmem>>) semaphore(%arg15 : memref<!tpu.dma_semaphore, #tpu.memory_space<semaphore_mem>>)
      %scan3A_34 = arith.constant 0 : i32
      %scan3A_35 = arith.constant 0 : i32
      %scan3A_36 = arith.constant 80 : i32
      %scan3A_37 = arith.addi %scan3A_35, %scan3A_36 : i32
      %scan3A_38 = arith.constant 1 : i32
      %scan3A_39 = scf.for %scan3A_41 = %scan3A_35 to %scan3A_37 step %scan3A_38 iter_args(%scan3A_42 = %scan3A_34) -> (i32)  : i32 {
        %mul3A_43 = arith.constant 2 : i32
        %mul3A_44 = arith.muli %scan3A_41, %mul3A_43 : i32
        %add3A = arith.constant 0 : i32
        %add3A_45 = arith.addi %mul3A_44, %add3A : i32
        %add3A_46 = arith.constant 1 : i32
        %add3A_47 = arith.addi %add3A_45, %add3A_46 : i32
        %lt3A = arith.constant 160 : i32
        %lt3A_48 = arith.cmpi slt, %add3A_47, %lt3A : i32
        %convert_element_type3A_49 = arith.extui %lt3A_48 : i1 to i32
        %cond3A_50 = arith.constant 0 : i32
        %cond3A_51 = arith.cmpi ne, %convert_element_type3A_49, %cond3A_50 : i32
        scf.if %cond3A_51 {
          %add3A_75 = arith.constant 1 : i32
          %add3A_76 = arith.addi %add3A_45, %add3A_75 : i32
          %dma_start3A_77 = arith.constant 0 : i32
          %dma_start3A_78 = tpu.memref_slice %arg9[%add3A_76, %dma_start3A_77] : memref<160x128xi32, #tpu.memory_space<vmem>> -> memref<1x128xi32, #tpu.memory_space<vmem>>
          %dma_start3A_79 = tpu.memref_squeeze %dma_start3A_78 : memref<1x128xi32, #tpu.memory_space<vmem>> -> memref<128xi32, #tpu.memory_space<vmem>>
          %dma_start3A_80 = arith.constant 0 : i32
          %dma_start3A_81 = arith.constant 0 : i32
          %dma_start3A_82 = tpu.memref_slice %arg7[%dma_start3A_80, %dma_start3A_81] : memref<4096x64xf32, #tpu.memory_space<hbm>> -> memref<4096x64xf32, #tpu.memory_space<hbm>>
          tpu.enqueue_indirect_dma source(%dma_start3A_82 : memref<4096x64xf32, #tpu.memory_space<hbm>>) target(%arg12 : memref<128x64xf32, #tpu.memory_space<vmem>>) offsets(%dma_start3A_79 : memref<128xi32, #tpu.memory_space<vmem>>) semaphore(%arg16 : memref<!tpu.dma_semaphore, #tpu.memory_space<semaphore_mem>>)
        } else {
        }
        %dma_wait3A = arith.constant 0 : i32
        %dma_wait3A_52 = tpu.memref_slice %arg9[%add3A_45, %dma_wait3A] : memref<160x128xi32, #tpu.memory_space<vmem>> -> memref<1x128xi32, #tpu.memory_space<vmem>>
        %dma_wait3A_53 = tpu.memref_squeeze %dma_wait3A_52 : memref<1x128xi32, #tpu.memory_space<vmem>> -> memref<128xi32, #tpu.memory_space<vmem>>
        %dma_wait3A_54 = arith.constant 0 : i32
        %dma_wait3A_55 = arith.constant 0 : i32
        %dma_wait3A_56 = tpu.memref_slice %arg7[%dma_wait3A_54, %dma_wait3A_55] : memref<4096x64xf32, #tpu.memory_space<hbm>> -> memref<4096x64xf32, #tpu.memory_space<hbm>>
        tpu.wait_indirect_dma semaphore(%arg15 : memref<!tpu.dma_semaphore, #tpu.memory_space<semaphore_mem>>) src(%dma_wait3A_56 : memref<4096x64xf32, #tpu.memory_space<hbm>>) dst(%arg11 : memref<128x64xf32, #tpu.memory_space<vmem>>)
        "tpu.region"() ({
          %run_scoped3A = tpu.sem_alloc : memref<!tpu.dma_semaphore, #tpu.memory_space<semaphore_mem>>
          %dma_start3A_75 = arith.constant 0 : i32
          %dma_start3A_76 = tpu.memref_slice %arg10[%add3A_45, %dma_start3A_75] : memref<160x128xi32, #tpu.memory_space<vmem>> -> memref<1x128xi32, #tpu.memory_space<vmem>>
          %dma_start3A_77 = tpu.memref_squeeze %dma_start3A_76 : memref<1x128xi32, #tpu.memory_space<vmem>> -> memref<128xi32, #tpu.memory_space<vmem>>
          %dma_start3A_78 = arith.constant 0 : i32
          %dma_start3A_79 = arith.constant 0 : i32
          %dma_start3A_80 = tpu.memref_slice %arg14[%dma_start3A_78, %dma_start3A_79] : memref<16384x64xf32, #tpu.memory_space<vmem_shared>> -> memref<16384x64xf32, #tpu.memory_space<vmem_shared>>
          tpu.enqueue_indirect_dma source(%arg11 : memref<128x64xf32, #tpu.memory_space<vmem>>) target(%dma_start3A_80 : memref<16384x64xf32, #tpu.memory_space<vmem_shared>>) offsets(%dma_start3A_77 : memref<128xi32, #tpu.memory_space<vmem>>) semaphore(%run_scoped3A : memref<!tpu.dma_semaphore, #tpu.memory_space<semaphore_mem>>) {add = true}
          %dma_wait3A_81 = arith.constant 0 : i32
          %dma_wait3A_82 = tpu.memref_slice %arg10[%add3A_45, %dma_wait3A_81] : memref<160x128xi32, #tpu.memory_space<vmem>> -> memref<1x128xi32, #tpu.memory_space<vmem>>
          %dma_wait3A_83 = tpu.memref_squeeze %dma_wait3A_82 : memref<1x128xi32, #tpu.memory_space<vmem>> -> memref<128xi32, #tpu.memory_space<vmem>>
          %dma_wait3A_84 = arith.constant 0 : i32
          %dma_wait3A_85 = arith.constant 0 : i32
          %dma_wait3A_86 = tpu.memref_slice %arg14[%dma_wait3A_84, %dma_wait3A_85] : memref<16384x64xf32, #tpu.memory_space<vmem_shared>> -> memref<16384x64xf32, #tpu.memory_space<vmem_shared>>
          tpu.wait_indirect_dma semaphore(%run_scoped3A : memref<!tpu.dma_semaphore, #tpu.memory_space<semaphore_mem>>) src(%arg11 : memref<128x64xf32, #tpu.memory_space<vmem>>) dst(%dma_wait3A_86 : memref<16384x64xf32, #tpu.memory_space<vmem_shared>>)
          tpu.yield
        }) : () -> ()
        %mul3A_57 = arith.constant 2 : i32
        %mul3A_58 = arith.muli %scan3A_41, %mul3A_57 : i32
        %add3A_59 = arith.constant 1 : i32
        %add3A_60 = arith.addi %mul3A_58, %add3A_59 : i32
        %add3A_61 = arith.constant 1 : i32
        %add3A_62 = arith.addi %add3A_60, %add3A_61 : i32
        %lt3A_63 = arith.constant 160 : i32
        %lt3A_64 = arith.cmpi slt, %add3A_62, %lt3A_63 : i32
        %convert_element_type3A_65 = arith.extui %lt3A_64 : i1 to i32
        %cond3A_66 = arith.constant 0 : i32
        %cond3A_67 = arith.cmpi ne, %convert_element_type3A_65, %cond3A_66 : i32
        scf.if %cond3A_67 {
          %add3A_75 = arith.constant 1 : i32
          %add3A_76 = arith.addi %add3A_60, %add3A_75 : i32
          %dma_start3A_77 = arith.constant 0 : i32
          %dma_start3A_78 = tpu.memref_slice %arg9[%add3A_76, %dma_start3A_77] : memref<160x128xi32, #tpu.memory_space<vmem>> -> memref<1x128xi32, #tpu.memory_space<vmem>>
          %dma_start3A_79 = tpu.memref_squeeze %dma_start3A_78 : memref<1x128xi32, #tpu.memory_space<vmem>> -> memref<128xi32, #tpu.memory_space<vmem>>
          %dma_start3A_80 = arith.constant 0 : i32
          %dma_start3A_81 = arith.constant 0 : i32
          %dma_start3A_82 = tpu.memref_slice %arg7[%dma_start3A_80, %dma_start3A_81] : memref<4096x64xf32, #tpu.memory_space<hbm>> -> memref<4096x64xf32, #tpu.memory_space<hbm>>
          tpu.enqueue_indirect_dma source(%dma_start3A_82 : memref<4096x64xf32, #tpu.memory_space<hbm>>) target(%arg11 : memref<128x64xf32, #tpu.memory_space<vmem>>) offsets(%dma_start3A_79 : memref<128xi32, #tpu.memory_space<vmem>>) semaphore(%arg15 : memref<!tpu.dma_semaphore, #tpu.memory_space<semaphore_mem>>)
        } else {
        }
        %dma_wait3A_68 = arith.constant 0 : i32
        %dma_wait3A_69 = tpu.memref_slice %arg9[%add3A_60, %dma_wait3A_68] : memref<160x128xi32, #tpu.memory_space<vmem>> -> memref<1x128xi32, #tpu.memory_space<vmem>>
        %dma_wait3A_70 = tpu.memref_squeeze %dma_wait3A_69 : memref<1x128xi32, #tpu.memory_space<vmem>> -> memref<128xi32, #tpu.memory_space<vmem>>
        %dma_wait3A_71 = arith.constant 0 : i32
        %dma_wait3A_72 = arith.constant 0 : i32
        %dma_wait3A_73 = tpu.memref_slice %arg7[%dma_wait3A_71, %dma_wait3A_72] : memref<4096x64xf32, #tpu.memory_space<hbm>> -> memref<4096x64xf32, #tpu.memory_space<hbm>>
        tpu.wait_indirect_dma semaphore(%arg16 : memref<!tpu.dma_semaphore, #tpu.memory_space<semaphore_mem>>) src(%dma_wait3A_73 : memref<4096x64xf32, #tpu.memory_space<hbm>>) dst(%arg12 : memref<128x64xf32, #tpu.memory_space<vmem>>)
        "tpu.region"() ({
          %run_scoped3A = tpu.sem_alloc : memref<!tpu.dma_semaphore, #tpu.memory_space<semaphore_mem>>
          %dma_start3A_75 = arith.constant 0 : i32
          %dma_start3A_76 = tpu.memref_slice %arg10[%add3A_60, %dma_start3A_75] : memref<160x128xi32, #tpu.memory_space<vmem>> -> memref<1x128xi32, #tpu.memory_space<vmem>>
          %dma_start3A_77 = tpu.memref_squeeze %dma_start3A_76 : memref<1x128xi32, #tpu.memory_space<vmem>> -> memref<128xi32, #tpu.memory_space<vmem>>
          %dma_start3A_78 = arith.constant 0 : i32
          %dma_start3A_79 = arith.constant 0 : i32
          %dma_start3A_80 = tpu.memref_slice %arg14[%dma_start3A_78, %dma_start3A_79] : memref<16384x64xf32, #tpu.memory_space<vmem_shared>> -> memref<16384x64xf32, #tpu.memory_space<vmem_shared>>
          tpu.enqueue_indirect_dma source(%arg12 : memref<128x64xf32, #tpu.memory_space<vmem>>) target(%dma_start3A_80 : memref<16384x64xf32, #tpu.memory_space<vmem_shared>>) offsets(%dma_start3A_77 : memref<128xi32, #tpu.memory_space<vmem>>) semaphore(%run_scoped3A : memref<!tpu.dma_semaphore, #tpu.memory_space<semaphore_mem>>) {add = true}
          %dma_wait3A_81 = arith.constant 0 : i32
          %dma_wait3A_82 = tpu.memref_slice %arg10[%add3A_60, %dma_wait3A_81] : memref<160x128xi32, #tpu.memory_space<vmem>> -> memref<1x128xi32, #tpu.memory_space<vmem>>
          %dma_wait3A_83 = tpu.memref_squeeze %dma_wait3A_82 : memref<1x128xi32, #tpu.memory_space<vmem>> -> memref<128xi32, #tpu.memory_space<vmem>>
          %dma_wait3A_84 = arith.constant 0 : i32
          %dma_wait3A_85 = arith.constant 0 : i32
          %dma_wait3A_86 = tpu.memref_slice %arg14[%dma_wait3A_84, %dma_wait3A_85] : memref<16384x64xf32, #tpu.memory_space<vmem_shared>> -> memref<16384x64xf32, #tpu.memory_space<vmem_shared>>
          tpu.wait_indirect_dma semaphore(%run_scoped3A : memref<!tpu.dma_semaphore, #tpu.memory_space<semaphore_mem>>) src(%arg12 : memref<128x64xf32, #tpu.memory_space<vmem>>) dst(%dma_wait3A_86 : memref<16384x64xf32, #tpu.memory_space<vmem_shared>>)
          tpu.yield
        }) : () -> ()
        %scan3A_74 = arith.constant 0 : i32
        scf.yield %scan3A_74 : i32
      }
      %scan3A_40 = arith.constant 80 : i32
    } else {
    }
    %barrier3A_20 = arith.constant 0 : index
    tpu.barrier barrier_id(%barrier3A_20)
    %mul3A = arith.constant 1024 : i32
    %mul3A_21 = arith.muli %arg1, %mul3A : i32
    %mul3A_22 = arith.constant 1024 : i32
    %mul3A_23 = arith.muli %arg1, %mul3A_22 : i32
    %mul3A_24 = arith.constant 64 : i32
    %mul3A_25 = arith.muli %arg0, %mul3A_24 : i32
    "tpu.region"() ({
      %run_scoped3A = tpu.sem_alloc : memref<!tpu.dma_semaphore, #tpu.memory_space<semaphore_mem>>
      %dma_start3A = tpu.memref_slice %arg8[%mul3A_23, %mul3A_25] : memref<16384x128xf32, #tpu.memory_space<hbm>> -> memref<1024x64xf32, #tpu.memory_space<hbm>>
      %dma_start3A_26 = arith.constant 0 : i32
      %dma_start3A_27 = tpu.memref_slice %arg14[%mul3A_21, %dma_start3A_26] : memref<16384x64xf32, #tpu.memory_space<vmem_shared>> -> memref<1024x64xf32, #tpu.memory_space<vmem_shared>>
      tpu.enqueue_dma source(%dma_start3A_27 : memref<1024x64xf32, #tpu.memory_space<vmem_shared>>) target(%dma_start3A : memref<1024x64xf32, #tpu.memory_space<hbm>>) target_semaphore(%run_scoped3A : memref<!tpu.dma_semaphore, #tpu.memory_space<semaphore_mem>>)
      %dma_wait3A = tpu.memref_slice %arg8[%mul3A_23, %mul3A_25] : memref<16384x128xf32, #tpu.memory_space<hbm>> -> memref<1024x64xf32, #tpu.memory_space<hbm>>
      %dma_wait3A_28 = arith.constant 0 : i32
      %dma_wait3A_29 = tpu.memref_slice %arg14[%mul3A_21, %dma_wait3A_28] : memref<16384x64xf32, #tpu.memory_space<vmem_shared>> -> memref<1024x64xf32, #tpu.memory_space<vmem_shared>>
      tpu.wait_dma2 semaphore(%run_scoped3A : memref<!tpu.dma_semaphore, #tpu.memory_space<semaphore_mem>>) src(%dma_wait3A_29 : memref<1024x64xf32, #tpu.memory_space<vmem_shared>>) dst(%dma_wait3A : memref<1024x64xf32, #tpu.memory_space<hbm>>)
      tpu.yield
    }) : () -> ()
    return
  }
}

</mosaic_0001>

<sc_bundles>
// kernel: kernel.3.cloned.1.call-start
scs
__scs_entry_jumppad:
0x0: {  	(pc) =	sbr.rel $0x88, $3  }
0x1: {  	(tag) =	ssettag $0x0;
	lr =	simm.s32 $0x1  }
0x2: {  	[smem:$0x3F9B] =	sst lr;
	_ =	strace $0xD0000000  }
0x3: {  	_ = 	snop  }
0x4: {  	_ = 	snop  }
0x5: {  	_ = 	snop  }
0x6: {  	_ = 	snop  }
0x7: {  	_ = 	snop  }
__scs_overlays_trampoline_lowered:
0x8: {  	[smem:$0x3FAA] =	sst s0  }
0x9: {  	[smem:$0x3FAB] =	sst s1  }
0xa: {  	[smem:$0x3FAC] =	sst s2  }
0xb: {  	[smem:$0x3FAD] =	sst s3  }
0xc: {  	[smem:$0x3FAE] =	sst s4  }
0xd: {  	[smem:$0x3FAF] =	sst s5  }
0xe: {  	[smem:$0x3FB0] =	sst s6  }
0xf: {  	[smem:$0x3FB1] =	sst s7  }
0x10: {  	[smem:$0x3FB2] =	sst s8  }
0x11: {  	[smem:$0x3FB3] =	sst s9;
	s0 =	simm.s32 @!p0 $0x0  }
0x12: {  	s1 =	sld [smem:$0x3F99];
	s0 =	simm.s32 @p0 $0x1  }
0x13: {  	[smem:$0x3FB4] =	sst s0;
	s0 =	simm.s32 @!p1 $0x0  }
0x14: {  	s2 =	sld [smem:$0x3F98];
	s0 =	simm.s32 @p1 $0x1  }
0x15: {  	[smem:$0x3FB5] =	sst s0;
	s0 =	simm.s32 @!p2 $0x0  }
0x16: {  	s3 =	sld [smem:$0x3FDB];
	s0 =	simm.s32 @p2 $0x1  }
0x17: {  	s4 =	simm.s32 $0x1BF5;
	[smem:$0x3FB7] =	sst s0  }
0x18: {  	s0 =	sld [smem:$0x3F9A];
	_ =	swait.ge [sflag:s4], $0x0  }
0x19: {  	s7 =	sld [smem:$0x3F9B]  }
0x1a: {  	s8 =	sadd.s32 $0xFFFFE003, lr  }
0x1b: {  	s9 =	sadd.s32 $0xFFFFFEF7, lr;
	s5 =	simm.s32 $0xFFFFFFFF;
	p2 =	slt.u32 s8, $0xFFFFF086  }
0x1c: {  	p1 =	slt.u32 s9, $0xF7A;
	s5 =	simm.s32 @!p2 $0x0  }
0x1d: {  	s5 =	simm.s32 @p1 $0x1;
	p0 =	seq.s32 s7, s2  }
0x1e: {  	s7 =	smul.u32 @!p0 $0xF7A, s2;
	p2 =	seq.s32 @!p0 s5, $0x0  }
0x1f: {  	s9 =	smul.u32 $0xF7A, s1;
	s8 =	simm.s32 @!p0 $0x1BF5;
	p2 =	por !p2, p0  }
0x20: {  	[sflag:s8] =	ssyncset.s32 @!p0 $0xFFFFF086;
	s6 =	sadd.s32 @!p0 s3, s7;
	s7 =	simm.s32 @!p0 $0x108  }
0x21: {  	s3 =	sadd.s32 s3, s9;
	s6 =	sadd.s32 @!p0 $0x88, s6;
	s7 =	simm.s32 @p2 $0x1082  }
0x22: {  	[simem:s7], [sflag:s8] =	dma.local @!p0 [hbm:s6], $0xF7A  }
0x23: {  	s9 =	sor.u32 $0xD0000000, s2;
	s6 =	simm.s32 $0x108;
	_ =	swait.ge @!p0 [sflag:s8], $0x0  }
0x24: {  	s3 =	sadd.s32 $0x88, s3;
	s6 =	simm.s32 @!p1 $0x1082;
	[sflag:s4] =	ssyncset.s32 $0xFFFFF086  }
0x25: {  	[simem:s6], [sflag:s4] =	dma.local [hbm:s3], $0xF7A  }
0x26: {  	[smem:$0x3F9B] =	sst s1;
	(tag) =	ssettag s2;
	_ =	strace s9  }
0x27: {  	s1 =	sld [smem:$0x3FAB]  }
0x28: {  	s2 =	sld [smem:$0x3FAC]  }
0x29: {  	s4 =	sld [smem:$0x3FAE]  }
0x2a: {  	p0 =	seq.s32 s5, $0x0;
	s5 =	sld [smem:$0x3FAF]  }
0x2b: {  	s6 =	sld [smem:$0x3FB0]  }
0x2c: {  	s7 =	sld [smem:$0x3FB1]  }
0x2d: {  	s3 =	simm.s32 $0x108;
	s8 =	sld [smem:$0x3FB2]  }
0x2e: {  	s3 =	simm.s32 @!p0 $0x1082;
	s9 =	sld [smem:$0x3FB3]  }
0x2f: {  	lr =	sadd.s32 s0, s3;
	s0 =	sld [smem:$0x3FAA]  }
0x30: {  	s3 =	sld [smem:$0x3FAD]  }
0x31: {  	[smem:$0x3FB6] =	sst s10  }
0x32: {  	s10 =	sld [smem:$0x3FB4];
	_ =	sdelay $0x3  }
0x33: {  	p0 =	seq.s32 s10, $0x1;
	s10 =	sld [smem:$0x3FB6];
	_ =	sdelay $0x3  }
0x34: {  	[smem:$0x3FB6] =	sst s10  }
0x35: {  	s10 =	sld [smem:$0x3FB5];
	_ =	sdelay $0x3  }
0x36: {  	p1 =	seq.s32 s10, $0x1;
	s10 =	sld [smem:$0x3FB6];
	_ =	sdelay $0x3  }
0x37: {  	[smem:$0x3FB6] =	sst s10  }
0x38: {  	s10 =	sld [smem:$0x3FB7]  }
0x39: {  	_ = 	snop;
	(pc) =	sbr.ind lr, $3  }
0x3a: {  	_ = 	snop  }
0x3b: {  	_ = 	snop  }
0x3c: {  	p2 =	seq.s32 s10, $0x1;
	s10 =	sld [smem:$0x3FB6]  }
0x3d: {  	_ =	shalt  }
0x3e: {  	_ =	shalt  }
0x3f: {  	_ =	shalt  }
0x40: {  	_ =	shalt  }
0x41: {  	_ =	shalt  }
0x42: {  	_ =	shalt  }
0x43: {  	_ =	shalt  }
0x44: {  	_ =	shalt  }
0x45: {  	_ =	shalt  }
0x46: {  	_ =	shalt  }
0x47: {  	_ =	shalt  }
0x48: {  	_ =	shalt  }
0x49: {  	_ =	shalt  }
0x4a: {  	_ =	shalt  }
0x4b: {  	_ =	shalt  }
0x4c: {  	_ =	shalt  }
0x4d: {  	_ =	shalt  }
0x4e: {  	_ =	shalt  }
0x4f: {  	_ =	shalt  }
0x50: {  	_ =	shalt  }
0x51: {  	_ =	shalt  }
0x52: {  	_ =	shalt  }
0x53: {  	_ =	shalt  }
0x54: {  	_ =	shalt  }
0x55: {  	_ =	shalt  }
0x56: {  	_ =	shalt  }
0x57: {  	_ =	shalt  }
0x58: {  	_ =	shalt  }
0x59: {  	_ =	shalt  }
0x5a: {  	_ =	shalt  }
0x5b: {  	_ =	shalt  }
0x5c: {  	_ =	shalt  }
0x5d: {  	_ =	shalt  }
0x5e: {  	_ =	shalt  }
0x5f: {  	_ =	shalt  }
0x60: {  	_ =	shalt  }
0x61: {  	_ =	shalt  }
0x62: {  	_ =	shalt  }
0x63: {  	_ =	shalt  }
0x64: {  	_ =	shalt  }
0x65: {  	_ =	shalt  }
0x66: {  	_ =	shalt  }
0x67: {  	_ =	shalt  }
0x68: {  	_ =	shalt  }
0x69: {  	_ =	shalt  }
0x6a: {  	_ =	shalt  }
0x6b: {  	_ =	shalt  }
0x6c: {  	_ =	shalt  }
0x6d: {  	_ =	shalt  }
0x6e: {  	_ =	shalt  }
0x6f: {  	_ =	shalt  }
0x70: {  	_ =	shalt  }
0x71: {  	_ =	shalt  }
0x72: {  	_ =	shalt  }
0x73: {  	_ =	shalt  }
0x74: {  	_ =	shalt  }
0x75: {  	_ =	shalt  }
0x76: {  	_ =	shalt  }
0x77: {  	_ =	shalt  }
0x78: {  	_ =	shalt  }
0x79: {  	_ =	shalt  }
0x7a: {  	_ =	shalt  }
0x7b: {  	_ =	shalt  }
0x7c: {  	_ =	shalt  }
0x7d: {  	_ =	shalt  }
0x7e: {  	_ =	shalt  }
0x7f: {  	_ =	shalt  }
0x80: {  	_ =	shalt  }
0x81: {  	_ =	shalt  }
0x82: {  	_ =	shalt  }
0x83: {  	_ =	shalt  }
0x84: {  	_ =	shalt  }
0x85: {  	_ =	shalt  }
0x86: {  	_ =	shalt  }
0x87: {  	_ =	shalt  }
.Lfunc_end0:
.L_simem_size_0:
called_computation_lowered:
.L_overlay_start_0:
0x88: {  	s2 =	sld [smem:$0x3FD9]  }
0x89: {  	s3 =	sld [smem:$0x3FFE];
	_ =	sdelay $0x1  }
0x8a: {  	s1 =	srdreg.scid  }
0x8b: {  	s0 =	sand.u32 $0x1, s1  }
0x8c: {  	s17 =	sshll.u32 s0, $0xA;
	s2 =	sadd.s32 s3, s2  }
0x8d: {  	s2 =	sadd.s32 s2, s17  }
0x8e: {  	[smem:$0x3FC2] =	sst s2  }
0x8f: {  	_ = 	snop  }
0x90: {  	s2 =	sld [smem:$0x3FC9]  }
0x91: {  	s18 =	sld [smem:$0x3FC8]  }
0x92: {  	s4 =	sld [smem:$0x3FC7]  }
0x93: {  	s5 =	sld [smem:$0x3FC6]  }
0x94: {  	s6 =	sld [smem:$0x3FD0];
	(tm) =	ssettm $0x1  }
0x95: {  	s7 =	sld [smem:$0x3FFB];
	_ =	sdelay $0x3  }
0x96: {  	_ =	strace s7  }
0x97: {  	s7 =	sld [smem:$0x3FFC];
	_ =	sdelay $0x3  }
0x98: {  	_ =	strace s7  }
0x99: {  	s7 =	sld [smem:$0x3FFD];
	_ =	sdelay $0x3  }
0x9a: {  	_ =	strace s7  }
0x9b: {  	_ =	strace $0x8FFFFFFF  }
0x9c: {  	s19 =	sld [smem:$0x3FDB];
	_ =	sdelay $0x1  }
0x9d: {  	s8 =	simm.s32 $_scs_section_size  }
0x9e: {  	s9 =	simm.s32 $_size__tile_overlayer_lowered;
	s10 =	simm.s32 $_tile_overlayer_lowered  }
0x9f: {  	s22 =	simm.s32 $0x1BFF;
	s21 =	sshll.u32 s10, $0x1;
	s7 =	sadd.s32 s8, s19  }
0xa0: {  	s11 =	simm.s32 $0x0;
	s20 =	sshll.u32 s9, $0x1;
	s9 =	sadd.s32 s21, s7  }
0xa1: {  	[timem:s11], [sflag:s22] =	dma.local [hbm:s9], s20  }
0xa2: {  	_ =	swait.ge [sflag:s22], s20  }
0xa3: {  	s8 =	ssub.s32 $0x0, s20;
	[sflag:s22] =	ssyncset.done $0x0  }
0xa4: {  	[sflag:s22] =	ssyncadd.s32 s8;
	_ =	sdelay $0x1  }
0xa5: {  	s23 =	simm.s32 $0x1B8B  }
0xa6: {  	_ =	swait.ge [sflag:s23], $0x1  }
0xa7: {  	[sflag:s23] =	ssyncset.done $0x0  }
0xa8: {  	s25 =	simm.s32 $0x1B8E;
	s24 =	sld [smem:$0x3FFE];
	[sflag:s23] =	ssyncadd.s32 $0xFFFFFFFF  }
0xa9: {  	s26 =	simm.s32 $execute0_lowered;
	[smem:$0x3FD2] =	sst s25  }
0xaa: {  	s9 =	sshll.u32 s26, $0x1;
	_ =	strace $0x80000046;
	[dreg:$0x1] =	wrdreg $0xFFFFFFFF  }
0xab: {  	s28 =	simm.s32 $_size_execute0_lowered;
	s7 =	sadd.s32 s7, s9;
	[dreg:$0x0] =	wrdreg $0x0  }
0xac: {  	s9 =	sshll.u32 s28, $0x1;
	[dreg:$0x2] =	wrdreg s7  }
0xad: {  	[dreg:$0x3] =	wrdreg s9  }
0xae: {  	[dreg:$0x4] =	wrdreg $0xC0  }
0xaf: {  	_ =	task [dreg:s11], $0x5FFFF  }
0xb0: {  	[dreg:$0x1] =	wrdreg $0xFFFFFFFF  }
0xb1: {  	[dreg:$0x0] =	wrdreg $0x60  }
0xb2: {  	[dreg:$0x2] =	wrdreg s2  }
0xb3: {  	[dreg:$0x3] =	wrdreg s18  }
0xb4: {  	[dreg:$0x4] =	wrdreg s4  }
0xb5: {  	[dreg:$0x5] =	wrdreg s5  }
0xb6: {  	[dreg:$0x6] =	wrdreg s24  }
0xb7: {  	[dreg:$0x7] =	wrdreg s6  }
0xb8: {  	[dreg:$0x8] =	wrdreg $0x100000  }
0xb9: {  	[dreg:$0x9] =	wrdreg $0x9  }
0xba: {  	_ =	task.clear_ibuf [dreg:s11], $0xAFFFF;
	_ =	strace $0x90000046  }
0xbb: {  	s29 =	simm.s32 $0x9;
	_ =	strace $0x80000048  }
0xbc: {  	_ =	swait.ge [sflag:s29], $0x1  }
0xbd: {  	[sflag:s29] =	ssyncadd.s32 $0xFFFFFFFF  }
0xbe: {  	_ =	strace $0x90000048  }
0xbf: {  	_ =	sfence  }
0xc0: {  	s30 =	sld [smem:$0x0];
	_ =	sdelay $0x2  }
0xc1: {  	s31 =	sshll.u32 s1, $0xD;
	s1 =	sshrl.u32 s1, $0x2  }
0xc2: {  	s3 =	sand.u32 $0x4000, s31;
	s1 =	sadd.s32 s1, s30  }
0xc3: {  	s0 =	sor.u32 s3, s0;
	s1 =	sshll.u32 s1, $0x11  }
0xc4: {  	s0 =	sor.u32 s1, s0  }
0xc5: {  	s0 =	sadd.s32 $0x8F2B, s0  }
0xc6: {  	[sflag:s0] =	ssyncadd.remote.s32 $0x1  }
0xc7: {  	_ =	sfence.sel $0xFFFF  }
0xc8: {  	[dreg:$0x0] =	wrdreg $0xFFFFFFFF;
	(pc) =	sbr.abs _section_cstart, $3  }
0xc9: {  	[dreg:$0x1] =	wrdreg $0xFFFFFFFF  }
0xca: {  	_ =	task.clear_ibuf [dreg:s11], $0x2FFFF;
	_ =	strace $0x9FFFFFFF  }
0xcb: {  	(tm) =	ssettm $0x7FFFFFFF  }
tec
execute0_lowered:
.L_overlay_start_1:
0x0: {  	(tag) =	ssettag $0x1  }
0x1: {  	s0 =	rddreg [dreg:$0x0]  }
0x2: {  	s7 =	rddreg [dreg:$0x1]  }
0x3: {  	s8 =	rddreg [dreg:$0x2]  }
0x4: {  	s9 =	rddreg [dreg:$0x3]  }
0x5: {  	s3 =	rddreg [dreg:$0x4]  }
0x6: {  	s10 =	rddreg [dreg:$0x5]  }
0x7: {  	s1 =	rddreg [dreg:$0x6];
	s2 =	simm.s32 $0x0;
	s5 =	srdreg.scid  }
0x8: {  	s20 =	simm.s32 $0xE000;
	s21 =	simm.s32 $0x3;
	s23 =	simm.s32 $0x80  }
0x9: {  	s28 =	simm.s32 $0x2;
	s31 =	simm.s32 $0x9F80;
	[smem:$0x7FF] =	sst s2  }
0xa: {  	s4 =	sadd.s32 $0x600, s3;
	s11 =	sand.u32 $0x1, s5;
	s5 =	sadd.s32 $0x8600, s3  }
0xb: {  	s3 =	stileid.u32;
	_ =	strace $0x80000047;
	s6 =	ssub.s32 $0x2, s11  }
0xc: {  	s13 =	sshll.u32 s3, $0x10;
	s14 =	smul.u32 $0xA00, s3;
	p0 =	seq.s32 s11, $0x1  }
0xd: {  	s25 =	sshll.u32 s11, $0x3;
	s29 =	sshll.u32 s3, $0xE;
	s12 =	sshrl.u32 s6, $0x1  }
0xe: {  	s12 =	ssub.s32 s6, s12;
	s6 =	sadd.s32 s13, s1;
	s0 =	sadd.s32 s0, s14  }
0xf: {  	s24 =	sadd.s32 s7, s14;
	s26 =	sadd.s32 s8, s14;
	[dreg:$0x8] =	wrdreg s0  }
0x10: {  	s30 =	sadd.s32 s9, s14;
	s7 =	simm.s32 $0x8;
	[dreg:$0x9] =	wrdreg s24  }
0x11: {  	s8 =	simm.s32 $0x0;
	[dreg:$0xa] =	wrdreg s26;
	s0 =	sadd.s32 s10, s25  }
.Ltmp0:
0x12: {  	[dreg:$0xb] =	wrdreg s30;
	s12 =	smax.u32 s12, $0x1;
	(pc) =	sbr.rel .LBB2_1-.Ltmp0, $4  }
0x13: {  	s13 =	sadd.s32 $0x2000, s6;
	s14 =	sadd.s32 $0x4000, s6;
	s15 =	sadd.s32 $0x6000, s6  }
0x14: {  	s16 =	sadd.s32 $0x8000, s6;
	s17 =	sadd.s32 $0xA000, s6;
	s18 =	sadd.s32 $0xC000, s6  }
0x15: {  	s19 =	sadd.s32 $0xE000, s6;
	s24 =	simm.s32 $0xA000;
	s25 =	simm.s32 $0xC000  }
0x16: {  	v0 =	vimm.f32 $0.0e+00;
	s26 =	simm.s32 $0x1;
	s11 =	sadd.s32 s29, s0;
	s0 =	simm.s32 $0x10  }
.LBB2_6:
0x17: {  	s10 =	sadd.s32 $0x80, s9;
	[sflag:s21] =	ssyncadd.s32 $0xFFFFE000  }
0x18: {  	[tilespmem:s25], [sflag:$0x2] =	stream.indirect.gather [hbm4b:s4+s23], $0x40, s10, s23, $0xb8;
	v63 =	vld [tilespmem:$0x0]  }
0x19: {  	_ =	swait.ge [sflag:s26], $0x2000  }
0x1a: {  	[sflag:s26] =	ssyncset.done $0x0  }
0x1b: {  	s30 =	sadd.s32 $0x5000, s9;
	[sflag:s26] =	ssyncadd.s32 $0xFFFFE000  }
0x1c: {  	[spmem:s1] =	stream.indirect.scatter.add.f32 [tilespmem:s24], [sflag:$0x3], $0x40, s30, s23, $0xb8;
	v63 =	vld [tilespmem:$0x0]  }
0x1d: {  	_ =	swait.ge [sflag:s21], $0x2000  }
0x1e: {  	[sflag:s21] =	ssyncset.done $0x0  }
0x1f: {  	s22 =	sadd.s32 $0x100, s9;
	[sflag:s21] =	ssyncadd.s32 $0xFFFFE000  }
0x20: {  	[tilespmem:s24], [sflag:$0x1] =	stream.indirect.gather [hbm4b:s4+s23], $0x40, s22, s23, $0xb8;
	v63 =	vld [tilespmem:$0x0]  }
0x21: {  	_ =	swait.ge [sflag:s28], $0x2000  }
0x22: {  	[sflag:s28] =	ssyncset.done $0x0  }
0x23: {  	s29 =	sadd.s32 $0x5080, s9;
	[sflag:s28] =	ssyncadd.s32 $0xFFFFE000  }
0x24: {  	[spmem:s1] =	stream.indirect.scatter.add.f32 [tilespmem:s25], [sflag:$0x3], $0x40, s29, s23, $0xb8;
	v63 =	vld [tilespmem:$0x0]  }
0x25: {  	_ =	swait.ge [sflag:s21], $0x2000  }
0x26: {  	[sflag:s21] =	ssyncset.done $0x0  }
0x27: {  	s30 =	simm.s32 $0x4F80;
	[sflag:s21] =	ssyncadd.s32 $0xFFFFE000  }
0x28: {  	[tilespmem:s25], [sflag:$0x2] =	stream.indirect.gather [hbm4b:s4+s23], $0x40, s30, s23, $0xb8;
	v63 =	vld [tilespmem:$0x0]  }
.LBB2_10:
0x29: {  	_ =	swait.ge [sflag:s26], $0x2000  }
0x2a: {  	[sflag:s26] =	ssyncset.done $0x0  }
0x2b: {  	s9 =	simm.s32 $0x9F00;
	[sflag:s26] =	ssyncadd.s32 $0xFFFFE000  }
0x2c: {  	[spmem:s1] =	stream.indirect.scatter.add.f32 [tilespmem:s24], [sflag:$0x3], $0x40, s9, s23, $0xb8;
	v63 =	vld [tilespmem:$0x0]  }
0x2d: {  	_ =	swait.ge [sflag:s21], $0x2000  }
0x2e: {  	[sflag:s21] =	ssyncset.done $0x0  }
0x2f: {  	[sflag:s21] =	ssyncadd.s32 $0xFFFFE000  }
0x30: {  	_ =	swait.ge [sflag:s28], $0x2000  }
0x31: {  	[sflag:s28] =	ssyncset.done $0x0  }
0x32: {  	[sflag:s28] =	ssyncadd.s32 $0xFFFFE000  }
0x33: {  	[spmem:s1] =	stream.indirect.scatter.add.f32 [tilespmem:s25], [sflag:$0x3], $0x40, s31, s23, $0xb8;
	v63 =	vld [tilespmem:$0x0]  }
0x34: {  	_ =	swait.ge [sflag:s21], $0x2000  }
0x35: {  	s30 =	sshll.u32 s3, $0x6;
	s8 =	sadd.s32 $0x1, s8;
	[sflag:s21] =	ssyncset.done $0x0  }
0x36: {  	s10 =	sshrl.u32 s6, $0x3;
	p1 =	sne.s32 s8, s12;
	[sflag:s21] =	ssyncadd.s32 $0xFFFFE000  }
.Ltmp1:
0x37: {  	s9 =	sor.u32 $0x1C03, s30;
	[bflag:$0x0] =	sbarrier.arrive $0xFFFF;
	(pc) =	sbr.rel @!p1 .LBB2_11-.Ltmp1, $4  }
0x38: {  	[hbm:s11@s0], [sflag:s9] =	dma.strided [spmem:s10@s7], $0x2000, s26, $0x8   }
0x39: {  	_ =	swait.ge [sflag:s21], $0x2000  }
0x3a: {  	[sflag:s21] =	ssyncset.done $0x0  }
0x3b: {  	[sflag:s21] =	ssyncadd.s32 $0xFFFFE000  }
.LBB2_1:
0x3c: {  	s9 =	sand.u32 $0x7F00, s2  }
0x3d: {  	s10 =	sand.u32 $0x30, s2;
	s22 =	sshrl.u32 s9, $0x2  }
0x3e: {  	s9 =	simm.s32 $0x40;
	s22 =	sor.u32 s10, s22;
	s10 =	simm.s32 $0x0  }
.LBB2_2:
0x3f: {  	p1 =	sne.s32 s9, $0x7FC0  }
0x40: {  	[tilespmem:s22+$0xE000] =	vst v0;
	s10 =	sadd.s32 $0x10, s10;
	s22 =	smov.u32 s9;
	s9 =	sadd.s32 $0x40, s9  }
.Ltmp2:
0x41: {  	(pc) =	sbr.rel @p1 .LBB2_2-.Ltmp2, $4  }
0x42: {  	_ = 	snop  }
0x43: {  	s22 =	sand.u32 $0x7F00, s22  }
0x44: {  	s29 =	sand.u32 $0x30, s10;
	s22 =	sshrl.u32 s22, $0x2  }
0x45: {  	s22 =	sor.u32 s29, s22  }
0x46: {  	[tilespmem:s22+$0xE000] =	vst v0  }
0x47: {  	[spmem:s6] =	stream.linear.scatter [tilespmem:s20], [sflag:$0x3], $0x2000, $0x38;
	v63 =	vld [tilespmem:$0x0]  }
0x48: {  	_ =	swait.ge [sflag:s21], $0x2000  }
0x49: {  	[sflag:s21] =	ssyncset.done $0x0  }
0x4a: {  	[sflag:s21] =	ssyncadd.s32 $0xFFFFE000  }
0x4b: {  	[spmem:s13] =	stream.linear.scatter [tilespmem:s20], [sflag:$0x3], $0x2000, $0x38;
	v63 =	vld [tilespmem:$0x0]  }
0x4c: {  	_ =	swait.ge [sflag:s21], $0x2000  }
0x4d: {  	[sflag:s21] =	ssyncset.done $0x0  }
0x4e: {  	[sflag:s21] =	ssyncadd.s32 $0xFFFFE000  }
0x4f: {  	[spmem:s14] =	stream.linear.scatter [tilespmem:s20], [sflag:$0x3], $0x2000, $0x38;
	v63 =	vld [tilespmem:$0x0]  }
0x50: {  	_ =	swait.ge [sflag:s21], $0x2000  }
0x51: {  	[sflag:s21] =	ssyncset.done $0x0  }
0x52: {  	[sflag:s21] =	ssyncadd.s32 $0xFFFFE000  }
0x53: {  	[spmem:s15] =	stream.linear.scatter [tilespmem:s20], [sflag:$0x3], $0x2000, $0x38;
	v63 =	vld [tilespmem:$0x0]  }
0x54: {  	_ =	swait.ge [sflag:s21], $0x2000  }
0x55: {  	[sflag:s21] =	ssyncset.done $0x0  }
0x56: {  	[sflag:s21] =	ssyncadd.s32 $0xFFFFE000  }
0x57: {  	[spmem:s16] =	stream.linear.scatter [tilespmem:s20], [sflag:$0x3], $0x2000, $0x38;
	v63 =	vld [tilespmem:$0x0]  }
0x58: {  	_ =	swait.ge [sflag:s21], $0x2000  }
0x59: {  	[sflag:s21] =	ssyncset.done $0x0  }
0x5a: {  	[sflag:s21] =	ssyncadd.s32 $0xFFFFE000  }
0x5b: {  	[spmem:s17] =	stream.linear.scatter [tilespmem:s20], [sflag:$0x3], $0x2000, $0x38;
	v63 =	vld [tilespmem:$0x0]  }
0x5c: {  	_ =	swait.ge [sflag:s21], $0x2000  }
0x5d: {  	[sflag:s21] =	ssyncset.done $0x0  }
0x5e: {  	[sflag:s21] =	ssyncadd.s32 $0xFFFFE000  }
0x5f: {  	[spmem:s18] =	stream.linear.scatter [tilespmem:s20], [sflag:$0x3], $0x2000, $0x38;
	v63 =	vld [tilespmem:$0x0]  }
0x60: {  	_ =	swait.ge [sflag:s21], $0x2000  }
0x61: {  	[sflag:s21] =	ssyncset.done $0x0  }
0x62: {  	[sflag:s21] =	ssyncadd.s32 $0xFFFFE000  }
0x63: {  	[spmem:s19] =	stream.linear.scatter [tilespmem:s20], [sflag:$0x3], $0x2000, $0x38;
	v63 =	vld [tilespmem:$0x0]  }
.Ltmp3:
0x64: {  	_ =	swait.ge [sflag:s21], $0x2000;
	(pc) =	sbr.rel @!p0 .LBB2_4-.Ltmp3, $4  }
0x65: {  	[sflag:s21] =	ssyncset.done $0x0  }
0x66: {  	[sflag:s21] =	ssyncadd.s32 $0xFFFFE000  }
0x67: {  	[bflag:$0x0] =	sbarrier.arrive $0xFFFF  }
0x68: {  	s9 =	simm.s32 $0x0  }
0x69: {  	s10 =	rddreg [dreg:$0xa]  }
0x6a: {  	[tilespmem:s9], [sflag:$0x3] =	stream.linear.gather [hbm4b:s10+s9], $0x5000, $0x38;
	v63 =	vld [tilespmem:$0x0]  }
0x6b: {  	_ =	swait.ge [sflag:s21], $0x5000  }
0x6c: {  	[sflag:s21] =	ssyncset.done $0x0  }
0x6d: {  	s22 =	simm.s32 $0x5000;
	s30 =	rddreg [dreg:$0xb];
	[sflag:s21] =	ssyncadd.s32 $0xFFFFB000  }
0x6e: {  	[tilespmem:s22], [sflag:$0x3] =	stream.linear.gather [hbm4b:s30+s9], $0x5000, $0x38;
	v63 =	vld [tilespmem:$0x0]  }
0x6f: {  	_ =	swait.ge [sflag:s21], $0x5000  }
0x70: {  	[sflag:s21] =	ssyncset.done $0x0  }
0x71: {  	[sflag:s21] =	ssyncadd.s32 $0xFFFFB000  }
0x72: {  	[tilespmem:s24], [sflag:$0x1] =	stream.indirect.gather [hbm4b:s5+s23], $0x40, s9, s23, $0xb8;
	v63 =	vld [tilespmem:$0x0]  }
0x73: {  	s10 =	simm.s32 $0x80  }
0x74: {  	[tilespmem:s25], [sflag:$0x2] =	stream.indirect.gather [hbm4b:s5+s23], $0x40, s10, s23, $0xb8;
	v63 =	vld [tilespmem:$0x0]  }
0x75: {  	_ =	swait.ge [sflag:s26], $0x2000  }
0x76: {  	[sflag:s26] =	ssyncset.done $0x0  }
0x77: {  	s22 =	simm.s32 $0x5000;
	[sflag:s26] =	ssyncadd.s32 $0xFFFFE000  }
0x78: {  	[spmem:s1] =	stream.indirect.scatter.add.f32 [tilespmem:s24], [sflag:$0x3], $0x40, s22, s23, $0xb8;
	v63 =	vld [tilespmem:$0x0]  }
0x79: {  	_ =	swait.ge [sflag:s21], $0x2000  }
0x7a: {  	[sflag:s21] =	ssyncset.done $0x0  }
0x7b: {  	s29 =	simm.s32 $0x100;
	[sflag:s21] =	ssyncadd.s32 $0xFFFFE000  }
0x7c: {  	[tilespmem:s24], [sflag:$0x1] =	stream.indirect.gather [hbm4b:s5+s23], $0x40, s29, s23, $0xb8;
	v63 =	vld [tilespmem:$0x0]  }
0x7d: {  	_ =	swait.ge [sflag:s28], $0x2000  }
0x7e: {  	[sflag:s28] =	ssyncset.done $0x0  }
0x7f: {  	s30 =	simm.s32 $0x5080;
	[sflag:s28] =	ssyncadd.s32 $0xFFFFE000  }
0x80: {  	[spmem:s1] =	stream.indirect.scatter.add.f32 [tilespmem:s25], [sflag:$0x3], $0x40, s30, s23, $0xb8;
	v63 =	vld [tilespmem:$0x0]  }
0x81: {  	_ =	swait.ge [sflag:s21], $0x2000  }
0x82: {  	s9 =	simm.s32 $0x100;
	s10 =	simm.s32 $0x800;
	[sflag:s21] =	ssyncset.done $0x0  }
.LBB2_8:
0x83: {  	s22 =	sadd.s32 $0x80, s9  }
0x84: {  	[sflag:s21] =	ssyncadd.s32 $0xFFFFE000;
	s29 =	smov.u32 s10;
	s30 =	sadd.s32 $0x400, s10  }
0x85: {  	[tilespmem:s25], [sflag:$0x2] =	stream.indirect.gather [hbm4b:s5+s23], $0x40, s22, s23, $0xb8;
	v63 =	vld [tilespmem:$0x0]  }
0x86: {  	p1 =	sne.s32 s10, $0x13800;
	_ =	swait.ge [sflag:s26], $0x2000  }
0x87: {  	[sflag:s26] =	ssyncset.done $0x0  }
0x88: {  	s10 =	sadd.s32 $0x5000, s9;
	[sflag:s26] =	ssyncadd.s32 $0xFFFFE000  }
0x89: {  	[spmem:s1] =	stream.indirect.scatter.add.f32 [tilespmem:s24], [sflag:$0x3], $0x40, s10, s23, $0xb8;
	v63 =	vld [tilespmem:$0x0]  }
0x8a: {  	_ =	swait.ge [sflag:s21], $0x2000  }
0x8b: {  	[sflag:s21] =	ssyncset.done $0x0  }
0x8c: {  	s10 =	sadd.s32 $0x100, s9;
	[sflag:s21] =	ssyncadd.s32 $0xFFFFE000  }
0x8d: {  	[tilespmem:s24], [sflag:$0x1] =	stream.indirect.gather [hbm4b:s5+s23], $0x40, s10, s23, $0xb8;
	v63 =	vld [tilespmem:$0x0]  }
0x8e: {  	_ =	swait.ge [sflag:s28], $0x2000  }
.Ltmp4:
0x8f: {  	[sflag:s28] =	ssyncset.done $0x0;
	(pc) =	sbr.rel @p1 .LBB2_8-.Ltmp4, $4  }
0x90: {  	s9 =	sadd.s32 $0x5080, s9;
	[sflag:s28] =	ssyncadd.s32 $0xFFFFE000  }
0x91: {  	[spmem:s1] =	stream.indirect.scatter.add.f32 [tilespmem:s25], [sflag:$0x3], $0x40, s9, s23, $0xb8;
	v63 =	vld [tilespmem:$0x0]  }
0x92: {  	_ =	swait.ge [sflag:s21], $0x2000  }
0x93: {  	s10 =	smov.u32 s30;
	s9 =	sshra.s32 s29, $0x2;
	[sflag:s21] =	ssyncset.done $0x0  }
0x94: {  	s10 =	sadd.s32 $0x80, s9;
	[sflag:s21] =	ssyncadd.s32 $0xFFFFE000  }
0x95: {  	[tilespmem:s25], [sflag:$0x2] =	stream.indirect.gather [hbm4b:s5+s23], $0x40, s10, s23, $0xb8;
	v63 =	vld [tilespmem:$0x0]  }
0x96: {  	_ =	swait.ge [sflag:s26], $0x2000  }
0x97: {  	[sflag:s26] =	ssyncset.done $0x0  }
0x98: {  	s30 =	sadd.s32 $0x5000, s9;
	[sflag:s26] =	ssyncadd.s32 $0xFFFFE000  }
0x99: {  	[spmem:s1] =	stream.indirect.scatter.add.f32 [tilespmem:s24], [sflag:$0x3], $0x40, s30, s23, $0xb8;
	v63 =	vld [tilespmem:$0x0]  }
0x9a: {  	_ =	swait.ge [sflag:s21], $0x2000  }
0x9b: {  	[sflag:s21] =	ssyncset.done $0x0  }
0x9c: {  	s22 =	sadd.s32 $0x100, s9;
	[sflag:s21] =	ssyncadd.s32 $0xFFFFE000  }
0x9d: {  	[tilespmem:s24], [sflag:$0x1] =	stream.indirect.gather [hbm4b:s5+s23], $0x40, s22, s23, $0xb8;
	v63 =	vld [tilespmem:$0x0]  }
0x9e: {  	_ =	swait.ge [sflag:s28], $0x2000  }
0x9f: {  	[sflag:s28] =	ssyncset.done $0x0  }
0xa0: {  	s29 =	sadd.s32 $0x5080, s9;
	[sflag:s28] =	ssyncadd.s32 $0xFFFFE000  }
0xa1: {  	[spmem:s1] =	stream.indirect.scatter.add.f32 [tilespmem:s25], [sflag:$0x3], $0x40, s29, s23, $0xb8;
	v63 =	vld [tilespmem:$0x0]  }
.Ltmp5:
0xa2: {  	_ = 	snop;
	(pc) =	sbr.rel .LBB2_10-.Ltmp5, $4  }
0xa3: {  	_ =	swait.ge [sflag:s21], $0x2000  }
0xa4: {  	[sflag:s21] =	ssyncset.done $0x0  }
0xa5: {  	s30 =	simm.s32 $0x4F80;
	[sflag:s21] =	ssyncadd.s32 $0xFFFFE000  }
0xa6: {  	[tilespmem:s25], [sflag:$0x2] =	stream.indirect.gather [hbm4b:s5+s23], $0x40, s30, s23, $0xb8;
	v63 =	vld [tilespmem:$0x0]  }
.LBB2_4:
0xa7: {  	s10 =	rddreg [dreg:$0x8]  }
0xa8: {  	[tilespmem:s9], [sflag:$0x3] =	stream.linear.gather [hbm4b:s10+s9], $0x5000, $0x38;
	v63 =	vld [tilespmem:$0x0]  }
0xa9: {  	_ =	swait.ge [sflag:s21], $0x5000  }
0xaa: {  	[sflag:s21] =	ssyncset.done $0x0  }
0xab: {  	s22 =	simm.s32 $0x5000;
	s30 =	rddreg [dreg:$0x9];
	[sflag:s21] =	ssyncadd.s32 $0xFFFFB000  }
0xac: {  	[tilespmem:s22], [sflag:$0x3] =	stream.linear.gather [hbm4b:s30+s9], $0x5000, $0x38;
	v63 =	vld [tilespmem:$0x0]  }
0xad: {  	_ =	swait.ge [sflag:s21], $0x5000  }
0xae: {  	[sflag:s21] =	ssyncset.done $0x0  }
0xaf: {  	[sflag:s21] =	ssyncadd.s32 $0xFFFFB000  }
0xb0: {  	[tilespmem:s24], [sflag:$0x1] =	stream.indirect.gather [hbm4b:s4+s23], $0x40, s9, s23, $0xb8;
	v63 =	vld [tilespmem:$0x0]  }
0xb1: {  	s10 =	simm.s32 $0x80  }
0xb2: {  	[tilespmem:s25], [sflag:$0x2] =	stream.indirect.gather [hbm4b:s4+s23], $0x40, s10, s23, $0xb8;
	v63 =	vld [tilespmem:$0x0]  }
0xb3: {  	_ =	swait.ge [sflag:s26], $0x2000  }
0xb4: {  	[sflag:s26] =	ssyncset.done $0x0  }
0xb5: {  	s22 =	simm.s32 $0x5000;
	[sflag:s26] =	ssyncadd.s32 $0xFFFFE000  }
0xb6: {  	[spmem:s1] =	stream.indirect.scatter.add.f32 [tilespmem:s24], [sflag:$0x3], $0x40, s22, s23, $0xb8;
	v63 =	vld [tilespmem:$0x0]  }
0xb7: {  	_ =	swait.ge [sflag:s21], $0x2000  }
0xb8: {  	[sflag:s21] =	ssyncset.done $0x0  }
0xb9: {  	s29 =	simm.s32 $0x100;
	[sflag:s21] =	ssyncadd.s32 $0xFFFFE000  }
0xba: {  	[tilespmem:s24], [sflag:$0x1] =	stream.indirect.gather [hbm4b:s4+s23], $0x40, s29, s23, $0xb8;
	v63 =	vld [tilespmem:$0x0]  }
0xbb: {  	_ =	swait.ge [sflag:s28], $0x2000  }
0xbc: {  	[sflag:s28] =	ssyncset.done $0x0  }
0xbd: {  	s30 =	simm.s32 $0x5080;
	[sflag:s28] =	ssyncadd.s32 $0xFFFFE000  }
0xbe: {  	[spmem:s1] =	stream.indirect.scatter.add.f32 [tilespmem:s25], [sflag:$0x3], $0x40, s30, s23, $0xb8;
	v63 =	vld [tilespmem:$0x0]  }
0xbf: {  	_ =	swait.ge [sflag:s21], $0x2000  }
0xc0: {  	s9 =	simm.s32 $0x100;
	s10 =	simm.s32 $0x800;
	[sflag:s21] =	ssyncset.done $0x0  }
.LBB2_5:
0xc1: {  	s22 =	sadd.s32 $0x80, s9  }
0xc2: {  	[sflag:s21] =	ssyncadd.s32 $0xFFFFE000;
	s29 =	smov.u32 s10;
	s30 =	sadd.s32 $0x400, s10  }
0xc3: {  	[tilespmem:s25], [sflag:$0x2] =	stream.indirect.gather [hbm4b:s4+s23], $0x40, s22, s23, $0xb8;
	v63 =	vld [tilespmem:$0x0]  }
0xc4: {  	p1 =	seq.s32 s10, $0x13800;
	_ =	swait.ge [sflag:s26], $0x2000  }
0xc5: {  	[sflag:s26] =	ssyncset.done $0x0  }
0xc6: {  	s10 =	sadd.s32 $0x5000, s9;
	[sflag:s26] =	ssyncadd.s32 $0xFFFFE000  }
0xc7: {  	[spmem:s1] =	stream.indirect.scatter.add.f32 [tilespmem:s24], [sflag:$0x3], $0x40, s10, s23, $0xb8;
	v63 =	vld [tilespmem:$0x0]  }
0xc8: {  	_ =	swait.ge [sflag:s21], $0x2000  }
0xc9: {  	[sflag:s21] =	ssyncset.done $0x0  }
0xca: {  	s10 =	sadd.s32 $0x100, s9;
	[sflag:s21] =	ssyncadd.s32 $0xFFFFE000  }
0xcb: {  	[tilespmem:s24], [sflag:$0x1] =	stream.indirect.gather [hbm4b:s4+s23], $0x40, s10, s23, $0xb8;
	v63 =	vld [tilespmem:$0x0]  }
0xcc: {  	_ =	swait.ge [sflag:s28], $0x2000  }
.Ltmp6:
0xcd: {  	[sflag:s28] =	ssyncset.done $0x0;
	(pc) =	sbr.rel @!p1 .LBB2_5-.Ltmp6, $4  }
0xce: {  	s9 =	sadd.s32 $0x5080, s9;
	[sflag:s28] =	ssyncadd.s32 $0xFFFFE000  }
0xcf: {  	[spmem:s1] =	stream.indirect.scatter.add.f32 [tilespmem:s25], [sflag:$0x3], $0x40, s9, s23, $0xb8;
	v63 =	vld [tilespmem:$0x0]  }
0xd0: {  	_ =	swait.ge [sflag:s21], $0x2000  }
0xd1: {  	s10 =	smov.u32 s30;
	s9 =	sshra.s32 s29, $0x2;
	[sflag:s21] =	ssyncset.done $0x0  }
.Ltmp7:
0xd2: {  	_ = 	snop;
	(pc) =	sbr.rel .LBB2_6-.Ltmp7, $1  }
0xd3: {  	_ =	sdelay $0x3  }
.LBB2_11:
0xd4: {  	_ =	sfence.sel $0x180000  }
0xd5: {  	[bflag:$0x0] =	sbarrier.arrive $0xFFFF  }
0xd6: {  	_ =	strace $0x90000047  }
0xd7: {  	[bflag:$0x2] =	sbarrier.arrive $0xFFFF  }
0xd8: {  	p0 =	sne.s32 s3, $0x0;
	s0 =	rddreg [dreg:$0x7]  }
0xd9: {  	s0 =	sadd.s32 @!p0 $0x100000, s0  }
0xda: {  	[sflag:s0] =	ssyncadd.tile.s32 @!p0 $0x1;
	_ =	shalt  }
.Lfunc_end2:
_tile_overlayer_lowered:
.L_overlay_start_2:
0xdb: {  	(tag) =	ssettag $0x2  }
0xdc: {  	s0 =	rddreg [dreg:$0x0];
	s2 =	stileid.u32  }
0xdd: {  	s1 =	rddreg [dreg:$0x1];
	p0 =	sne.s32 s2, $0x0  }
0xde: {  	s3 =	rddreg [dreg:$0x2];
	[bflag:$0x3] =	sbarrier.arrive $0xFFFF;
	s2 =	simm.s32 @!p0 $0x1C03  }
0xdf: {  	[timem:s3], [sflag:s2] =	dma.local @!p0 [hbm:s0], s1  }
0xe0: {  	s0 =	simm.s32 @!p0 $0x3  }
0xe1: {  	_ =	swait.ge @!p0 [sflag:s0], s1  }
0xe2: {  	s1 =	ssub.s32 @!p0 $0x0, s1;
	[sflag:s0] =	ssyncset.done @!p0 $0x0  }
0xe3: {  	[sflag:s0] =	ssyncadd.s32 @!p0 s1  }
0xe4: {  	[bflag:$0x3] =	sbarrier.arrive $0xFFFF  }
0xe5: {  	_ =	shalt  }

</sc_bundles>
